<compile_context>
chip_gen: v7x
topology: tpu7x:2x2x1
jax: 0.10.2.dev20260603
libtpu: 0.0.44.dev20260713+nightly
codegen_flags: <defaults>
</compile_context>

<pallas_src>
import functools

import jax
import jax.numpy as jnp
from jax import lax
from jax.experimental import pallas as pl
from jax.experimental.pallas import tpu as pltpu
from jax.experimental.pallas import tpu_sc as plsc

N = 100000
E = 3200000
G = 16
NPAD = 100352
NB_N = 98
BS_N = 1024
NCORE = 2
NSUB = 16
NW = NCORE * NSUB
EPW = E // NW
CH = 2000
NCHUNK = EPW // CH
SLAB = NPAD // NSUB
B_E = 6400
NB_E = E // B_E

_mesh = plsc.VectorSubcoreMesh(core_axis_name="c", subcore_axis_name="s")


def _fill(ref, n, val, dtype):
    def body(i, _):
        ref[pl.ds(i * 16, 16)] = jnp.full((16,), val, dtype)
        return 0
    lax.fori_loop(0, n // 16, body, 0)


@functools.partial(
    pl.kernel,
    out_type=jax.ShapeDtypeStruct((NCORE, NPAD), jnp.float32),
    mesh=_mesh,
    scratch_types=[
        pltpu.VMEM((CH,), jnp.int32),
        pltpu.VMEM((CH,), jnp.float32),
        pltpu.VMEM((SLAB,), jnp.float32),
        pltpu.VMEM_SHARED((NPAD,), jnp.float32),
    ],
)
def _hist_k(row_hbm, out_hbm, idx_v, ones_v, slab_v, acc_sh):
    cid = lax.axis_index("c")
    sid = lax.axis_index("s")
    wid = sid * NCORE + cid
    _fill(ones_v, CH, 1.0, jnp.float32)
    _fill(slab_v, SLAB, 0.0, jnp.float32)
    pltpu.sync_copy(slab_v, acc_sh.at[pl.ds(sid * SLAB, SLAB)])
    plsc.subcore_barrier()

    def chunk(c, _):
        off = wid * EPW + c * CH
        pltpu.sync_copy(row_hbm.at[pl.ds(off, CH)], idx_v)
        pltpu.sync_copy(ones_v, acc_sh.at[idx_v], add=True)
        return 0

    lax.fori_loop(0, NCHUNK, chunk, 0)
    plsc.subcore_barrier()
    pltpu.sync_copy(acc_sh.at[pl.ds(sid * SLAB, SLAB)], slab_v)
    pltpu.sync_copy(slab_v, out_hbm.at[cid, pl.ds(sid * SLAB, SLAB)])


def _tables_body(cnt2_ref, b_ref, t_ref, gcn1_ref):
    j = pl.program_id(0)
    cnt_blk = cnt2_ref[...]
    csum = jnp.sum(cnt_blk, axis=0, keepdims=True)
    b_1bs = b_ref[0]
    t_ref[...] = ((b_1bs << 26) | csum.astype(jnp.int32))[None]
    iota_g = lax.broadcasted_iota(jnp.int32, (G, 1), 0)
    onehot = (b_1bs == iota_g).astype(jnp.float32)
    nz = (csum > 0.0).astype(jnp.float32)
    feats = jnp.concatenate(
        [jnp.ones((1, BS_N), jnp.float32), nz], axis=0)
    part = lax.dot_general(
        onehot, feats, (((1,), (1,)), ((), ())),
        preferred_element_type=jnp.float32)

    @pl.when(j == 0)
    def _():
        gcn1_ref[...] = part

    @pl.when(j > 0)
    def _():
        gcn1_ref[...] = gcn1_ref[...] + part


_tables = pl.pallas_call(
    _tables_body,
    grid=(NB_N,),
    in_specs=[
        pl.BlockSpec((NCORE, BS_N), lambda j: (0, j)),
        pl.BlockSpec((1, 1, BS_N), lambda j: (j, 0, 0)),
    ],
    out_specs=[
        pl.BlockSpec((1, 1, BS_N), lambda j: (j, 0, 0)),
        pl.BlockSpec((G, 2), lambda j: (0, 0)),
    ],
    out_shape=[
        jax.ShapeDtypeStruct((NB_N, 1, BS_N), jnp.int32),
        jax.ShapeDtypeStruct((G, 2), jnp.float32),
    ],
)


@functools.partial(
    pl.kernel,
    out_type=(
        jax.ShapeDtypeStruct((E, 16), jnp.float32),
        jax.ShapeDtypeStruct((E, 16), jnp.float32),
    ),
    mesh=_mesh,
    scratch_types=[
        pltpu.VMEM((CH,), jnp.int32),
        pltpu.VMEM((CH,), jnp.int32),
        pltpu.VMEM((CH, 16), jnp.float32),
        pltpu.VMEM((CH, 16), jnp.float32),
        pltpu.SemaphoreType.DMA,
        pltpu.SemaphoreType.DMA,
    ],
    compiler_params=pltpu.CompilerParams(use_tc_tiling_on_sc=False),
)
def _gather_x(x_hbm, row_hbm, col_hbm, xr_hbm, xc_hbm,
              ridx_v, cidx_v, xr_v, xc_v, s1, s2):
    cid = lax.axis_index("c")
    sid = lax.axis_index("s")
    wid = sid * NCORE + cid

    def chunk(c, _):
        off = wid * EPW + c * CH
        pltpu.sync_copy(row_hbm.at[pl.ds(off, CH)], ridx_v)
        pltpu.sync_copy(col_hbm.at[pl.ds(off, CH)], cidx_v)
        cp1 = pltpu.async_copy(x_hbm.at[ridx_v], xr_v, s1)
        cp2 = pltpu.async_copy(x_hbm.at[cidx_v], xc_v, s2)
        cp1.wait()
        cp2.wait()
        pltpu.sync_copy(xr_v, xr_hbm.at[pl.ds(off, CH)])
        pltpu.sync_copy(xc_v, xc_hbm.at[pl.ds(off, CH)])
        return 0

    lax.fori_loop(0, NCHUNK, chunk, 0)


@functools.partial(
    pl.kernel,
    out_type=jax.ShapeDtypeStruct((E,), jnp.int32),
    mesh=_mesh,
    scratch_types=[
        pltpu.VMEM((NPAD,), jnp.int32),
        pltpu.VMEM((CH,), jnp.int32),
        pltpu.VMEM((CH,), jnp.int32),
    ],
    compiler_params=pltpu.CompilerParams(needs_layout_passes=False),
)
def _gather_t(t_hbm, row_hbm, tout_hbm, tbl_v, ridx_v, tout_v):
    cid = lax.axis_index("c")
    sid = lax.axis_index("s")
    wid = sid * NCORE + cid
    pltpu.sync_copy(t_hbm, tbl_v)

    def chunk(c, _):
        off = wid * EPW + c * CH
        pltpu.sync_copy(row_hbm.at[pl.ds(off, CH)], ridx_v)

        def g16(k, _):
            idx16 = ridx_v[pl.ds(k * 16, 16)]
            tout_v[pl.ds(k * 16, 16)] = plsc.load_gather(tbl_v, [idx16])
            return 0

        lax.fori_loop(0, CH // 16, g16, 0)
        pltpu.sync_copy(tout_v, tout_hbm.at[pl.ds(off, CH)])
        return 0

    lax.fori_loop(0, NCHUNK, chunk, 0)


BP = B_E // 8
SUB = B_E // 8


def _edges_body(xrp_ref, xcp_ref, eap_ref, t_ref, waugt_ref, be1_ref,
                we2t_ref, be2_ref, wn1bt_ref, bn1_ref, s_ref):
    j = pl.program_id(0)
    xrt = lax.transpose(xrp_ref[...], (1, 0))
    xct = lax.transpose(xcp_ref[...], (1, 0))
    eat = lax.transpose(eap_ref[...], (1, 0))
    waugt = waugt_ref[...].astype(jnp.bfloat16)
    wct = jnp.dot(wn1bt_ref[...].astype(jnp.bfloat16),
                  we2t_ref[...].astype(jnp.bfloat16),
                  preferred_element_type=jnp.float32)
    bcc = jnp.dot(wn1bt_ref[...], be2_ref[...],
                  preferred_element_type=jnp.float32) + bn1_ref[...]
    wctb = wct.astype(jnp.bfloat16)
    t_all = t_ref[0]
    iota_g = lax.broadcasted_iota(jnp.int32, (G, 1), 0)
    part = jnp.zeros((G, 64), jnp.float32)
    for k in range(8):
        catt = jnp.concatenate(
            [lax.slice(xrt, (16 * k, 0), (16 * k + 16, BP)),
             lax.slice(xct, (16 * k, 0), (16 * k + 16, BP)),
             lax.slice(eat, (16 * k, 0), (16 * k + 16, BP))], axis=0)
        hzt = lax.dot_general(
            waugt, catt.astype(jnp.bfloat16), (((1,), (0,)), ((), ())),
            preferred_element_type=jnp.float32)
        h1t = jnp.maximum(hzt[0:64, :] + be1_ref[...], 0.0)
        zt = hzt[64:128, :]
        h2t = jnp.maximum(
            zt + jnp.dot(wctb, h1t.astype(jnp.bfloat16),
                         preferred_element_type=jnp.float32) + bcc, 0.0)
        tk = lax.slice(t_all, (0, SUB * k), (1, SUB * k + SUB))
        g = tk >> 26
        c = tk & ((1 << 26) - 1)
        w = 1.0 / jnp.maximum(c.astype(jnp.float32), 1.0)
        woh = (g == iota_g).astype(jnp.float32) * w
        part = part + lax.dot_general(
            woh, h2t, (((1,), (1,)), ((), ())),
            preferred_element_type=jnp.float32)

    @pl.when(j == 0)
    def _():
        s_ref[...] = part

    @pl.when(j > 0)
    def _():
        s_ref[...] = s_ref[...] + part


_edges = pl.pallas_call(
    _edges_body,
    grid=(NB_E,),
    in_specs=[
        pl.BlockSpec((BP, 128), lambda j: (j, 0)),
        pl.BlockSpec((BP, 128), lambda j: (j, 0)),
        pl.BlockSpec((BP, 128), lambda j: (j, 0)),
        pl.BlockSpec((1, 1, B_E), lambda j: (j, 0, 0)),
        pl.BlockSpec((128, 48), lambda j: (0, 0)),
        pl.BlockSpec((64, 1), lambda j: (0, 0)),
        pl.BlockSpec((80, 64), lambda j: (0, 0)),
        pl.BlockSpec((80, 1), lambda j: (0, 0)),
        pl.BlockSpec((64, 80), lambda j: (0, 0)),
        pl.BlockSpec((64, 1), lambda j: (0, 0)),
    ],
    out_specs=pl.BlockSpec((G, 64), lambda j: (0, 0)),
    out_shape=jax.ShapeDtypeStruct((G, 64), jnp.float32),
    compiler_params=pltpu.CompilerParams(
        vmem_limit_bytes=50 * 1024 * 1024),
)


def _head_body(s_ref, gcn1_ref, wn2_ref, bn2_ref, wfc1_ref, bfc1_ref,
               g1_ref, bt1_ref, wfc2_ref, bfc2_ref, out_ref):
    gcn1 = gcn1_ref[...]
    gc = jnp.maximum(gcn1[:, 0:1], 1.0)
    n1 = gcn1[:, 1:2]
    u2 = (jnp.dot(s_ref[...], wn2_ref[...],
                  preferred_element_type=jnp.float32)
          + n1 * bn2_ref[...]) / gc
    h = jnp.dot(u2, wfc1_ref[...],
                preferred_element_type=jnp.float32) + bfc1_ref[...]
    h = h * (g1_ref[...] / jnp.sqrt(1.0 + 1e-5)) + bt1_ref[...]
    h = jnp.maximum(h, 0.0)
    logits = jnp.dot(h, wfc2_ref[...],
                     preferred_element_type=jnp.float32) + bfc2_ref[...]
    mx = jnp.max(logits, axis=1, keepdims=True)
    lo = logits - mx
    out_ref[...] = lo - jnp.log(jnp.sum(jnp.exp(lo), axis=1, keepdims=True))


_head = pl.pallas_call(
    _head_body,
    out_shape=jax.ShapeDtypeStruct((G, 6), jnp.float32),
)


def kernel(x, edge_index, edge_attr, batch, W_e1, b_e1, W_e2, b_e2,
           W_n1, b_n1, W_n2, b_n2, W_fc1, b_fc1, g1, bt1, W_fc2, b_fc2):
    row = edge_index[0]
    col = edge_index[1]
    batch_pad = jnp.concatenate(
        [batch, jnp.full((NPAD - N,), 2 ** 20, jnp.int32)])
    cnt2 = _hist_k(row)
    t2, gcn1 = _tables(cnt2, batch_pad.reshape(NB_N, 1, BS_N))
    xr, xc = _gather_x(x, row, col)
    t_e = _gather_t(t2.reshape(NPAD), row)
    t_perm = (t_e.reshape(NB_E, B_E // 8, 8)
              .transpose(0, 2, 1).reshape(NB_E, 1, B_E))
    w_aug = jnp.concatenate(
        [W_e1,
         jnp.concatenate([jnp.zeros((16, 64), jnp.float32), W_n1[:16],
                          jnp.zeros((16, 64), jnp.float32)], axis=0)],
        axis=1)
    S = _edges(xr.reshape(E // 8, 128), xc.reshape(E // 8, 128),
               edge_attr.reshape(E // 8, 128), t_perm,
               w_aug.T, b_e1.reshape(-1, 1), W_e2.T, b_e2.reshape(-1, 1),
               W_n1[16:].T, b_n1.reshape(-1, 1))
    return _head(S, gcn1, W_n2, b_n2.reshape(1, -1),
                 W_fc1, b_fc1.reshape(1, -1), g1.reshape(1, -1),
                 bt1.reshape(1, -1), W_fc2, b_fc2.reshape(1, -1))

# --- scband reference (transcript-rebuilt; emitter-appended) ---
"""Pipeline reference for scband-meta1-86397562127205 (READ-ONLY COPY).

The authoritative reference and input builder live on the scoring server;
editing this copy changes nothing except your own understanding.
"""

import jax, jax.numpy as jnp
import numpy as np

N, E, G = 100000, 3200000, 16
D1, D2, D3, D5, C = 16, 64, 80, 32, 6

def setup_inputs(seed: int = 0):
    key = jax.random.key(seed)
    ks = jax.random.split(key, 20)
    x = jax.random.normal(ks[0], (N, D1), dtype=jnp.float32)
    edge_index = jax.random.randint(ks[1], (2, E), 0, N, dtype=jnp.int32)
    edge_attr = jax.random.normal(ks[2], (E, D1), dtype=jnp.float32)
    batch = jnp.sort(jax.random.randint(ks[3], (N,), 0, G, dtype=jnp.int32))
    W_e1 = 0.1 * jax.random.normal(ks[4], (3 * D1, D2), dtype=jnp.float32)
    b_e1 = jnp.zeros((D2,), jnp.float32)
    W_e2 = 0.1 * jax.random.normal(ks[5], (D2, D3), dtype=jnp.float32)
    b_e2 = jnp.zeros((D3,), jnp.float32)
    W_n1 = 0.1 * jax.random.normal(ks[6], (D1 + D3, D2), dtype=jnp.float32)
    b_n1 = jnp.zeros((D2,), jnp.float32)
    W_n2 = 0.1 * jax.random.normal(ks[7], (D2, D3), dtype=jnp.float32)
    b_n2 = jnp.zeros((D3,), jnp.float32)
    W_fc1 = 0.1 * jax.random.normal(ks[8], (D3, D5), dtype=jnp.float32)
    b_fc1 = jnp.zeros((D5,), jnp.float32)
    g1 = jnp.ones((D5,), jnp.float32)
    bt1 = jnp.zeros((D5,), jnp.float32)
    W_fc2 = 0.1 * jax.random.normal(ks[9], (D5, C), dtype=jnp.float32)
    b_fc2 = jnp.zeros((C,), jnp.float32)
    return {"x": x, "edge_index": edge_index, "edge_attr": edge_attr, "batch": batch,
            "W_e1": W_e1, "b_e1": b_e1, "W_e2": W_e2, "b_e2": b_e2,
            "W_n1": W_n1, "b_n1": b_n1, "W_n2": W_n2, "b_n2": b_n2,
            "W_fc1": W_fc1, "b_fc1": b_fc1, "g1": g1, "bt1": bt1,
            "W_fc2": W_fc2, "b_fc2": b_fc2}

def reference(x, edge_index, edge_attr, batch, W_e1, b_e1, W_e2, b_e2, W_n1, b_n1, W_n2, b_n2, W_fc1, b_fc1, g1, bt1, W_fc2, b_fc2):
    row = edge_index[0]
    col = edge_index[1]
    # edge model: cat([x[row], x[col], edge_attr]) -> MLP
    e_in = jnp.concatenate([x[row], x[col], edge_attr], axis=1)
    e2 = jnp.maximum(e_in @ W_e1 + b_e1, 0.0) @ W_e2 + b_e2
    # node model: cat([x[col], edge_attr2]) -> MLP -> scatter_mean over row
    n_in = jnp.concatenate([x[col], e2], axis=1)
    m = jnp.maximum(n_in @ W_n1 + b_n1, 0.0) @ W_n2 + b_n2
    sums = jax.ops.segment_sum(m, row, num_segments=N)
    cnt = jax.ops.segment_sum(jnp.ones((E,), jnp.float32), row, num_segments=N)
    x2 = sums / jnp.maximum(cnt, 1.0)[:, None]
    # global mean pool per graph (u2)
    gs = jax.ops.segment_sum(x2, batch, num_segments=G)
    gc = jax.ops.segment_sum(jnp.ones((N,), jnp.float32), batch, num_segments=G)
    u2 = gs / jnp.maximum(gc, 1.0)[:, None]
    # head: fc1 -> BN (eval) -> relu -> dropout(eval=identity) -> fc2 -> log_softmax
    h = u2 @ W_fc1 + b_fc1
    h = g1 * h / jnp.sqrt(1.0 + 1e-5) + bt1
    h = jnp.maximum(h, 0.0)
    logits = h @ W_fc2 + b_fc2
    return jax.nn.log_softmax(logits, axis=1)

if __name__ == "__main__":
    import jax
    _d = setup_inputs()
    print(jax.jit(kernel)(*tuple(_d.values())))

</pallas_src>

<mosaic_0001>
#map = affine_map<(d0, d1) -> (0)>
#map1 = affine_map<(d0, d1) -> (0, 0)>
module attributes {stable_mosaic.version = 14 : i64} {
  func.func @_hist_k(%arg0: i32, %arg1: i32, %arg2: memref<3200000xi32, #tpu.memory_space<hbm>>, %arg3: memref<2x100352xf32, #tpu.memory_space<hbm>>, %arg4: memref<2000xi32, #tpu.memory_space<vmem>>, %arg5: memref<2000xf32, #tpu.memory_space<vmem>>, %arg6: memref<6272xf32, #tpu.memory_space<vmem>>, %arg7: memref<100352xf32, #tpu.memory_space<vmem_shared>>) attributes {dimension_semantics = [#tpu.dimension_semantics<core_parallel>, #tpu.dimension_semantics<subcore_parallel>], iteration_bounds = array<i64: 2, 16>, scalar_prefetch = 0 : i64, scratch_operands = 4 : i64, tpu.core_type = #tpu.core_type<sc_vector_subcore>, window_params = [{transform_indices = #map}, {transform_indices = #map1}]} {
    %mul3A = arith.constant 2 : i32
    %mul3A_0 = arith.muli %arg1, %mul3A : i32
    %add3A = arith.addi %mul3A_0, %arg0 : i32
    %scan3A = arith.constant 0 : i32
    %scan3A_1 = arith.constant 0 : i32
    %scan3A_2 = arith.constant 125 : i32
    %scan3A_3 = arith.addi %scan3A_1, %scan3A_2 : i32
    %scan3A_4 = arith.constant 1 : i32
    %scan3A_5 = scf.for %scan3A_28 = %scan3A_1 to %scan3A_3 step %scan3A_4 iter_args(%scan3A_29 = %scan3A) -> (i32)  : i32 {
      %broadcast_in_dim3A = arith.constant 1.000000e+00 : f32
      %broadcast_in_dim3A_30 = vector.broadcast %broadcast_in_dim3A : f32 to vector<16xf32>
      %mul3A_31 = arith.constant 16 : i32
      %mul3A_32 = arith.muli %scan3A_28, %mul3A_31 : i32
      %swap3A = arith.index_cast %mul3A_32 : i32 to index
      %swap3A_33 = tpu.vector_load %arg5[%swap3A] {strides = array<i32>} : memref<2000xf32, #tpu.memory_space<vmem>>, vector<16xf32>,
      %swap3A_34 = vector.shape_cast %swap3A_33 : vector<16xf32> to vector<16xf32>
      %swap3A_35 = vector.shape_cast %broadcast_in_dim3A_30 : vector<16xf32> to vector<16xf32>
      tpu.vector_store %arg5[%swap3A], %swap3A_35 {strides = array<i32>} : memref<2000xf32, #tpu.memory_space<vmem>>, vector<16xf32>,
      %scan3A_36 = arith.constant 0 : i32
      scf.yield %scan3A_36 : i32
    }
    %scan3A_6 = arith.constant 125 : i32
    %scan3A_7 = arith.constant 0 : i32
    %scan3A_8 = arith.constant 0 : i32
    %scan3A_9 = arith.constant 392 : i32
    %scan3A_10 = arith.addi %scan3A_8, %scan3A_9 : i32
    %scan3A_11 = arith.constant 1 : i32
    %scan3A_12 = scf.for %scan3A_28 = %scan3A_8 to %scan3A_10 step %scan3A_11 iter_args(%scan3A_29 = %scan3A_7) -> (i32)  : i32 {
      %broadcast_in_dim3A = arith.constant 0.000000e+00 : f32
      %broadcast_in_dim3A_30 = vector.broadcast %broadcast_in_dim3A : f32 to vector<16xf32>
      %mul3A_31 = arith.constant 16 : i32
      %mul3A_32 = arith.muli %scan3A_28, %mul3A_31 : i32
      %swap3A = arith.index_cast %mul3A_32 : i32 to index
      %swap3A_33 = tpu.vector_load %arg6[%swap3A] {strides = array<i32>} : memref<6272xf32, #tpu.memory_space<vmem>>, vector<16xf32>,
      %swap3A_34 = vector.shape_cast %swap3A_33 : vector<16xf32> to vector<16xf32>
      %swap3A_35 = vector.shape_cast %broadcast_in_dim3A_30 : vector<16xf32> to vector<16xf32>
      tpu.vector_store %arg6[%swap3A], %swap3A_35 {strides = array<i32>} : memref<6272xf32, #tpu.memory_space<vmem>>, vector<16xf32>,
      %scan3A_36 = arith.constant 0 : i32
      scf.yield %scan3A_36 : i32
    }
    %scan3A_13 = arith.constant 392 : i32
    %mul3A_14 = arith.constant 6272 : i32
    %mul3A_15 = arith.muli %arg1, %mul3A_14 : i32
    "tpu.region"() ({
      %run_scoped3A = tpu.sem_alloc : memref<!tpu.dma_semaphore, #tpu.memory_space<semaphore_mem>>
      %dma_start3A = tpu.memref_slice %arg7[%mul3A_15] : memref<100352xf32, #tpu.memory_space<vmem_shared>> -> memref<6272xf32, #tpu.memory_space<vmem_shared>>
      %dma_start3A_28 = tpu.memref_slice %arg7[%mul3A_15] : memref<100352xf32, #tpu.memory_space<vmem_shared>> -> memref<6272xf32, #tpu.memory_space<vmem_shared>>
      tpu.enqueue_dma source(%arg6 : memref<6272xf32, #tpu.memory_space<vmem>>) target(%dma_start3A_28 : memref<6272xf32, #tpu.memory_space<vmem_shared>>) target_semaphore(%run_scoped3A : memref<!tpu.dma_semaphore, #tpu.memory_space<semaphore_mem>>)
      %dma_wait3A = tpu.memref_slice %arg7[%mul3A_15] : memref<100352xf32, #tpu.memory_space<vmem_shared>> -> memref<6272xf32, #tpu.memory_space<vmem_shared>>
      %dma_wait3A_29 = tpu.memref_slice %arg7[%mul3A_15] : memref<100352xf32, #tpu.memory_space<vmem_shared>> -> memref<6272xf32, #tpu.memory_space<vmem_shared>>
      tpu.wait_dma2 semaphore(%run_scoped3A : memref<!tpu.dma_semaphore, #tpu.memory_space<semaphore_mem>>) src(%arg6 : memref<6272xf32, #tpu.memory_space<vmem>>) dst(%dma_wait3A_29 : memref<6272xf32, #tpu.memory_space<vmem_shared>>)
      tpu.yield
    }) : () -> ()
    %barrier3A = arith.constant 0 : index
    tpu.barrier barrier_id(%barrier3A)
    %scan3A_16 = arith.constant 0 : i32
    %scan3A_17 = arith.constant 0 : i32
    %scan3A_18 = arith.constant 50 : i32
    %scan3A_19 = arith.addi %scan3A_17, %scan3A_18 : i32
    %scan3A_20 = arith.constant 1 : i32
    %scan3A_21 = scf.for %scan3A_28 = %scan3A_17 to %scan3A_19 step %scan3A_20 iter_args(%scan3A_29 = %scan3A_16) -> (i32)  : i32 {
      %mul3A_30 = arith.constant 100000 : i32
      %mul3A_31 = arith.muli %add3A, %mul3A_30 : i32
      %mul3A_32 = arith.constant 2000 : i32
      %mul3A_33 = arith.muli %scan3A_28, %mul3A_32 : i32
      %add3A_34 = arith.addi %mul3A_31, %mul3A_33 : i32
      "tpu.region"() ({
        %run_scoped3A = tpu.sem_alloc : memref<!tpu.dma_semaphore, #tpu.memory_space<semaphore_mem>>
        %dma_start3A = tpu.memref_slice %arg2[%add3A_34] : memref<3200000xi32, #tpu.memory_space<hbm>> -> memref<2000xi32, #tpu.memory_space<hbm>>
        %dma_start3A_36 = tpu.memref_slice %arg2[%add3A_34] : memref<3200000xi32, #tpu.memory_space<hbm>> -> memref<2000xi32, #tpu.memory_space<hbm>>
        tpu.enqueue_dma source(%dma_start3A_36 : memref<2000xi32, #tpu.memory_space<hbm>>) target(%arg4 : memref<2000xi32, #tpu.memory_space<vmem>>) target_semaphore(%run_scoped3A : memref<!tpu.dma_semaphore, #tpu.memory_space<semaphore_mem>>)
        %dma_wait3A = tpu.memref_slice %arg2[%add3A_34] : memref<3200000xi32, #tpu.memory_space<hbm>> -> memref<2000xi32, #tpu.memory_space<hbm>>
        %dma_wait3A_37 = tpu.memref_slice %arg2[%add3A_34] : memref<3200000xi32, #tpu.memory_space<hbm>> -> memref<2000xi32, #tpu.memory_space<hbm>>
        tpu.wait_dma2 semaphore(%run_scoped3A : memref<!tpu.dma_semaphore, #tpu.memory_space<semaphore_mem>>) src(%dma_wait3A_37 : memref<2000xi32, #tpu.memory_space<hbm>>) dst(%arg4 : memref<2000xi32, #tpu.memory_space<vmem>>)
        tpu.yield
      }) : () -> ()
      "tpu.region"() ({
        %run_scoped3A = tpu.sem_alloc : memref<!tpu.dma_semaphore, #tpu.memory_space<semaphore_mem>>
        %dma_start3A = arith.constant 0 : i32
        %dma_start3A_36 = tpu.memref_slice %arg7[%dma_start3A] : memref<100352xf32, #tpu.memory_space<vmem_shared>> -> memref<100352xf32, #tpu.memory_space<vmem_shared>>
        tpu.enqueue_indirect_dma source(%arg5 : memref<2000xf32, #tpu.memory_space<vmem>>) target(%dma_start3A_36 : memref<100352xf32, #tpu.memory_space<vmem_shared>>) offsets(%arg4 : memref<2000xi32, #tpu.memory_space<vmem>>) semaphore(%run_scoped3A : memref<!tpu.dma_semaphore, #tpu.memory_space<semaphore_mem>>) {add = true}
        %dma_wait3A = arith.constant 0 : i32
        %dma_wait3A_37 = tpu.memref_slice %arg7[%dma_wait3A] : memref<100352xf32, #tpu.memory_space<vmem_shared>> -> memref<100352xf32, #tpu.memory_space<vmem_shared>>
        tpu.wait_indirect_dma semaphore(%run_scoped3A : memref<!tpu.dma_semaphore, #tpu.memory_space<semaphore_mem>>) src(%arg5 : memref<2000xf32, #tpu.memory_space<vmem>>) dst(%dma_wait3A_37 : memref<100352xf32, #tpu.memory_space<vmem_shared>>)
        tpu.yield
      }) : () -> ()
      %scan3A_35 = arith.constant 0 : i32
      scf.yield %scan3A_35 : i32
    }
    %scan3A_22 = arith.constant 50 : i32
    %barrier3A_23 = arith.constant 0 : index
    tpu.barrier barrier_id(%barrier3A_23)
    %mul3A_24 = arith.constant 6272 : i32
    %mul3A_25 = arith.muli %arg1, %mul3A_24 : i32
    "tpu.region"() ({
      %run_scoped3A = tpu.sem_alloc : memref<!tpu.dma_semaphore, #tpu.memory_space<semaphore_mem>>
      %dma_start3A = tpu.memref_slice %arg7[%mul3A_25] : memref<100352xf32, #tpu.memory_space<vmem_shared>> -> memref<6272xf32, #tpu.memory_space<vmem_shared>>
      %dma_start3A_28 = tpu.memref_slice %arg7[%mul3A_25] : memref<100352xf32, #tpu.memory_space<vmem_shared>> -> memref<6272xf32, #tpu.memory_space<vmem_shared>>
      tpu.enqueue_dma source(%dma_start3A_28 : memref<6272xf32, #tpu.memory_space<vmem_shared>>) target(%arg6 : memref<6272xf32, #tpu.memory_space<vmem>>) target_semaphore(%run_scoped3A : memref<!tpu.dma_semaphore, #tpu.memory_space<semaphore_mem>>)
      %dma_wait3A = tpu.memref_slice %arg7[%mul3A_25] : memref<100352xf32, #tpu.memory_space<vmem_shared>> -> memref<6272xf32, #tpu.memory_space<vmem_shared>>
      %dma_wait3A_29 = tpu.memref_slice %arg7[%mul3A_25] : memref<100352xf32, #tpu.memory_space<vmem_shared>> -> memref<6272xf32, #tpu.memory_space<vmem_shared>>
      tpu.wait_dma2 semaphore(%run_scoped3A : memref<!tpu.dma_semaphore, #tpu.memory_space<semaphore_mem>>) src(%dma_wait3A_29 : memref<6272xf32, #tpu.memory_space<vmem_shared>>) dst(%arg6 : memref<6272xf32, #tpu.memory_space<vmem>>)
      tpu.yield
    }) : () -> ()
    %mul3A_26 = arith.constant 6272 : i32
    %mul3A_27 = arith.muli %arg1, %mul3A_26 : i32
    "tpu.region"() ({
      %run_scoped3A = tpu.sem_alloc : memref<!tpu.dma_semaphore, #tpu.memory_space<semaphore_mem>>
      %dma_start3A = tpu.memref_slice %arg3[%arg0, %mul3A_27] : memref<2x100352xf32, #tpu.memory_space<hbm>> -> memref<1x6272xf32, #tpu.memory_space<hbm>>
      %dma_start3A_28 = tpu.memref_squeeze %dma_start3A : memref<1x6272xf32, #tpu.memory_space<hbm>> -> memref<6272xf32, #tpu.memory_space<hbm>>
      %dma_start3A_29 = tpu.memref_slice %arg3[%arg0, %mul3A_27] : memref<2x100352xf32, #tpu.memory_space<hbm>> -> memref<1x6272xf32, #tpu.memory_space<hbm>>
      %dma_start3A_30 = tpu.memref_squeeze %dma_start3A_29 : memref<1x6272xf32, #tpu.memory_space<hbm>> -> memref<6272xf32, #tpu.memory_space<hbm>>
      tpu.enqueue_dma source(%arg6 : memref<6272xf32, #tpu.memory_space<vmem>>) target(%dma_start3A_30 : memref<6272xf32, #tpu.memory_space<hbm>>) target_semaphore(%run_scoped3A : memref<!tpu.dma_semaphore, #tpu.memory_space<semaphore_mem>>)
      %dma_wait3A = tpu.memref_slice %arg3[%arg0, %mul3A_27] : memref<2x100352xf32, #tpu.memory_space<hbm>> -> memref<1x6272xf32, #tpu.memory_space<hbm>>
      %dma_wait3A_31 = tpu.memref_squeeze %dma_wait3A : memref<1x6272xf32, #tpu.memory_space<hbm>> -> memref<6272xf32, #tpu.memory_space<hbm>>
      %dma_wait3A_32 = tpu.memref_slice %arg3[%arg0, %mul3A_27] : memref<2x100352xf32, #tpu.memory_space<hbm>> -> memref<1x6272xf32, #tpu.memory_space<hbm>>
      %dma_wait3A_33 = tpu.memref_squeeze %dma_wait3A_32 : memref<1x6272xf32, #tpu.memory_space<hbm>> -> memref<6272xf32, #tpu.memory_space<hbm>>
      tpu.wait_dma2 semaphore(%run_scoped3A : memref<!tpu.dma_semaphore, #tpu.memory_space<semaphore_mem>>) src(%arg6 : memref<6272xf32, #tpu.memory_space<vmem>>) dst(%dma_wait3A_33 : memref<6272xf32, #tpu.memory_space<hbm>>)
      tpu.yield
    }) : () -> ()
    return
  }
}

#map = affine_map<(d0, d1) -> (0, 0)>
#map1 = affine_map<(d0, d1) -> (0)>
module attributes {stable_mosaic.version = 14 : i64} {
  func.func @_gather_x(%arg0: i32, %arg1: i32, %arg2: memref<100000x16xf32, #tpu.memory_space<hbm>>, %arg3: memref<3200000xi32, #tpu.memory_space<hbm>>, %arg4: memref<3200000xi32, #tpu.memory_space<hbm>>, %arg5: memref<3200000x16xf32, #tpu.memory_space<hbm>>, %arg6: memref<3200000x16xf32, #tpu.memory_space<hbm>>, %arg7: memref<2000xi32, #tpu.memory_space<vmem>>, %arg8: memref<2000xi32, #tpu.memory_space<vmem>>, %arg9: memref<2000x16xf32, #tpu.memory_space<vmem>>, %arg10: memref<2000x16xf32, #tpu.memory_space<vmem>>, %arg11: memref<!tpu.dma_semaphore, #tpu.memory_space<semaphore_mem>>, %arg12: memref<!tpu.dma_semaphore, #tpu.memory_space<semaphore_mem>>) attributes {dimension_semantics = [#tpu.dimension_semantics<core_parallel>, #tpu.dimension_semantics<subcore_parallel>], iteration_bounds = array<i64: 2, 16>, scalar_prefetch = 0 : i64, scratch_operands = 6 : i64, tpu.core_type = #tpu.core_type<sc_vector_subcore>, window_params = [{transform_indices = #map}, {transform_indices = #map1}, {transform_indices = #map1}, {transform_indices = #map}, {transform_indices = #map}]} {
    %mul3A = arith.constant 2 : i32
    %mul3A_0 = arith.muli %arg1, %mul3A : i32
    %add3A = arith.addi %mul3A_0, %arg0 : i32
    %scan3A = arith.constant 0 : i32
    %scan3A_1 = arith.constant 0 : i32
    %scan3A_2 = arith.constant 50 : i32
    %scan3A_3 = arith.addi %scan3A_1, %scan3A_2 : i32
    %scan3A_4 = arith.constant 1 : i32
    %scan3A_5 = scf.for %scan3A_7 = %scan3A_1 to %scan3A_3 step %scan3A_4 iter_args(%scan3A_8 = %scan3A) -> (i32)  : i32 {
      %mul3A_9 = arith.constant 100000 : i32
      %mul3A_10 = arith.muli %add3A, %mul3A_9 : i32
      %mul3A_11 = arith.constant 2000 : i32
      %mul3A_12 = arith.muli %scan3A_7, %mul3A_11 : i32
      %add3A_13 = arith.addi %mul3A_10, %mul3A_12 : i32
      "tpu.region"() ({
        %run_scoped3A = tpu.sem_alloc : memref<!tpu.dma_semaphore, #tpu.memory_space<semaphore_mem>>
        %dma_start3A_25 = tpu.memref_slice %arg3[%add3A_13] : memref<3200000xi32, #tpu.memory_space<hbm>> -> memref<2000xi32, #tpu.memory_space<hbm>>
        %dma_start3A_26 = tpu.memref_slice %arg3[%add3A_13] : memref<3200000xi32, #tpu.memory_space<hbm>> -> memref<2000xi32, #tpu.memory_space<hbm>>
        tpu.enqueue_dma source(%dma_start3A_26 : memref<2000xi32, #tpu.memory_space<hbm>>) target(%arg7 : memref<2000xi32, #tpu.memory_space<vmem>>) target_semaphore(%run_scoped3A : memref<!tpu.dma_semaphore, #tpu.memory_space<semaphore_mem>>)
        %dma_wait3A_27 = tpu.memref_slice %arg3[%add3A_13] : memref<3200000xi32, #tpu.memory_space<hbm>> -> memref<2000xi32, #tpu.memory_space<hbm>>
        %dma_wait3A_28 = tpu.memref_slice %arg3[%add3A_13] : memref<3200000xi32, #tpu.memory_space<hbm>> -> memref<2000xi32, #tpu.memory_space<hbm>>
        tpu.wait_dma2 semaphore(%run_scoped3A : memref<!tpu.dma_semaphore, #tpu.memory_space<semaphore_mem>>) src(%dma_wait3A_28 : memref<2000xi32, #tpu.memory_space<hbm>>) dst(%arg7 : memref<2000xi32, #tpu.memory_space<vmem>>)
        tpu.yield
      }) : () -> ()
      "tpu.region"() ({
        %run_scoped3A = tpu.sem_alloc : memref<!tpu.dma_semaphore, #tpu.memory_space<semaphore_mem>>
        %dma_start3A_25 = tpu.memref_slice %arg4[%add3A_13] : memref<3200000xi32, #tpu.memory_space<hbm>> -> memref<2000xi32, #tpu.memory_space<hbm>>
        %dma_start3A_26 = tpu.memref_slice %arg4[%add3A_13] : memref<3200000xi32, #tpu.memory_space<hbm>> -> memref<2000xi32, #tpu.memory_space<hbm>>
        tpu.enqueue_dma source(%dma_start3A_26 : memref<2000xi32, #tpu.memory_space<hbm>>) target(%arg8 : memref<2000xi32, #tpu.memory_space<vmem>>) target_semaphore(%run_scoped3A : memref<!tpu.dma_semaphore, #tpu.memory_space<semaphore_mem>>)
        %dma_wait3A_27 = tpu.memref_slice %arg4[%add3A_13] : memref<3200000xi32, #tpu.memory_space<hbm>> -> memref<2000xi32, #tpu.memory_space<hbm>>
        %dma_wait3A_28 = tpu.memref_slice %arg4[%add3A_13] : memref<3200000xi32, #tpu.memory_space<hbm>> -> memref<2000xi32, #tpu.memory_space<hbm>>
        tpu.wait_dma2 semaphore(%run_scoped3A : memref<!tpu.dma_semaphore, #tpu.memory_space<semaphore_mem>>) src(%dma_wait3A_28 : memref<2000xi32, #tpu.memory_space<hbm>>) dst(%arg8 : memref<2000xi32, #tpu.memory_space<vmem>>)
        tpu.yield
      }) : () -> ()
      %dma_start3A = arith.constant 0 : i32
      %dma_start3A_14 = arith.constant 0 : i32
      %dma_start3A_15 = tpu.memref_slice %arg2[%dma_start3A, %dma_start3A_14] : memref<100000x16xf32, #tpu.memory_space<hbm>> -> memref<100000x16xf32, #tpu.memory_space<hbm>>
      tpu.enqueue_indirect_dma source(%dma_start3A_15 : memref<100000x16xf32, #tpu.memory_space<hbm>>) target(%arg9 : memref<2000x16xf32, #tpu.memory_space<vmem>>) offsets(%arg7 : memref<2000xi32, #tpu.memory_space<vmem>>) semaphore(%arg11 : memref<!tpu.dma_semaphore, #tpu.memory_space<semaphore_mem>>)
      %dma_start3A_16 = arith.constant 0 : i32
      %dma_start3A_17 = arith.constant 0 : i32
      %dma_start3A_18 = tpu.memref_slice %arg2[%dma_start3A_16, %dma_start3A_17] : memref<100000x16xf32, #tpu.memory_space<hbm>> -> memref<100000x16xf32, #tpu.memory_space<hbm>>
      tpu.enqueue_indirect_dma source(%dma_start3A_18 : memref<100000x16xf32, #tpu.memory_space<hbm>>) target(%arg10 : memref<2000x16xf32, #tpu.memory_space<vmem>>) offsets(%arg8 : memref<2000xi32, #tpu.memory_space<vmem>>) semaphore(%arg12 : memref<!tpu.dma_semaphore, #tpu.memory_space<semaphore_mem>>)
      %dma_wait3A = arith.constant 0 : i32
      %dma_wait3A_19 = arith.constant 0 : i32
      %dma_wait3A_20 = tpu.memref_slice %arg2[%dma_wait3A, %dma_wait3A_19] : memref<100000x16xf32, #tpu.memory_space<hbm>> -> memref<100000x16xf32, #tpu.memory_space<hbm>>
      tpu.wait_indirect_dma semaphore(%arg11 : memref<!tpu.dma_semaphore, #tpu.memory_space<semaphore_mem>>) src(%dma_wait3A_20 : memref<100000x16xf32, #tpu.memory_space<hbm>>) dst(%arg9 : memref<2000x16xf32, #tpu.memory_space<vmem>>)
      %dma_wait3A_21 = arith.constant 0 : i32
      %dma_wait3A_22 = arith.constant 0 : i32
      %dma_wait3A_23 = tpu.memref_slice %arg2[%dma_wait3A_21, %dma_wait3A_22] : memref<100000x16xf32, #tpu.memory_space<hbm>> -> memref<100000x16xf32, #tpu.memory_space<hbm>>
      tpu.wait_indirect_dma semaphore(%arg12 : memref<!tpu.dma_semaphore, #tpu.memory_space<semaphore_mem>>) src(%dma_wait3A_23 : memref<100000x16xf32, #tpu.memory_space<hbm>>) dst(%arg10 : memref<2000x16xf32, #tpu.memory_space<vmem>>)
      "tpu.region"() ({
        %run_scoped3A = tpu.sem_alloc : memref<!tpu.dma_semaphore, #tpu.memory_space<semaphore_mem>>
        %dma_start3A_25 = arith.constant 0 : i32
        %dma_start3A_26 = tpu.memref_slice %arg5[%add3A_13, %dma_start3A_25] : memref<3200000x16xf32, #tpu.memory_space<hbm>> -> memref<2000x16xf32, #tpu.memory_space<hbm>>
        %dma_start3A_27 = arith.constant 0 : i32
        %dma_start3A_28 = tpu.memref_slice %arg5[%add3A_13, %dma_start3A_27] : memref<3200000x16xf32, #tpu.memory_space<hbm>> -> memref<2000x16xf32, #tpu.memory_space<hbm>>
        tpu.enqueue_dma source(%arg9 : memref<2000x16xf32, #tpu.memory_space<vmem>>) target(%dma_start3A_28 : memref<2000x16xf32, #tpu.memory_space<hbm>>) target_semaphore(%run_scoped3A : memref<!tpu.dma_semaphore, #tpu.memory_space<semaphore_mem>>)
        %dma_wait3A_29 = arith.constant 0 : i32
        %dma_wait3A_30 = tpu.memref_slice %arg5[%add3A_13, %dma_wait3A_29] : memref<3200000x16xf32, #tpu.memory_space<hbm>> -> memref<2000x16xf32, #tpu.memory_space<hbm>>
        %dma_wait3A_31 = arith.constant 0 : i32
        %dma_wait3A_32 = tpu.memref_slice %arg5[%add3A_13, %dma_wait3A_31] : memref<3200000x16xf32, #tpu.memory_space<hbm>> -> memref<2000x16xf32, #tpu.memory_space<hbm>>
        tpu.wait_dma2 semaphore(%run_scoped3A : memref<!tpu.dma_semaphore, #tpu.memory_space<semaphore_mem>>) src(%arg9 : memref<2000x16xf32, #tpu.memory_space<vmem>>) dst(%dma_wait3A_32 : memref<2000x16xf32, #tpu.memory_space<hbm>>)
        tpu.yield
      }) : () -> ()
      "tpu.region"() ({
        %run_scoped3A = tpu.sem_alloc : memref<!tpu.dma_semaphore, #tpu.memory_space<semaphore_mem>>
        %dma_start3A_25 = arith.constant 0 : i32
        %dma_start3A_26 = tpu.memref_slice %arg6[%add3A_13, %dma_start3A_25] : memref<3200000x16xf32, #tpu.memory_space<hbm>> -> memref<2000x16xf32, #tpu.memory_space<hbm>>
        %dma_start3A_27 = arith.constant 0 : i32
        %dma_start3A_28 = tpu.memref_slice %arg6[%add3A_13, %dma_start3A_27] : memref<3200000x16xf32, #tpu.memory_space<hbm>> -> memref<2000x16xf32, #tpu.memory_space<hbm>>
        tpu.enqueue_dma source(%arg10 : memref<2000x16xf32, #tpu.memory_space<vmem>>) target(%dma_start3A_28 : memref<2000x16xf32, #tpu.memory_space<hbm>>) target_semaphore(%run_scoped3A : memref<!tpu.dma_semaphore, #tpu.memory_space<semaphore_mem>>)
        %dma_wait3A_29 = arith.constant 0 : i32
        %dma_wait3A_30 = tpu.memref_slice %arg6[%add3A_13, %dma_wait3A_29] : memref<3200000x16xf32, #tpu.memory_space<hbm>> -> memref<2000x16xf32, #tpu.memory_space<hbm>>
        %dma_wait3A_31 = arith.constant 0 : i32
        %dma_wait3A_32 = tpu.memref_slice %arg6[%add3A_13, %dma_wait3A_31] : memref<3200000x16xf32, #tpu.memory_space<hbm>> -> memref<2000x16xf32, #tpu.memory_space<hbm>>
        tpu.wait_dma2 semaphore(%run_scoped3A : memref<!tpu.dma_semaphore, #tpu.memory_space<semaphore_mem>>) src(%arg10 : memref<2000x16xf32, #tpu.memory_space<vmem>>) dst(%dma_wait3A_32 : memref<2000x16xf32, #tpu.memory_space<hbm>>)
        tpu.yield
      }) : () -> ()
      %scan3A_24 = arith.constant 0 : i32
      scf.yield %scan3A_24 : i32
    }
    %scan3A_6 = arith.constant 50 : i32
    return
  }
}

#map = affine_map<(d0, d1) -> (0)>
module attributes {stable_mosaic.version = 14 : i64} {
  func.func @_gather_t(%arg0: i32, %arg1: i32, %arg2: memref<100352xi32, #tpu.memory_space<hbm>>, %arg3: memref<3200000xi32, #tpu.memory_space<hbm>>, %arg4: memref<3200000xi32, #tpu.memory_space<hbm>>, %arg5: memref<100352xi32, #tpu.memory_space<vmem>>, %arg6: memref<2000xi32, #tpu.memory_space<vmem>>, %arg7: memref<2000xi32, #tpu.memory_space<vmem>>) attributes {dimension_semantics = [#tpu.dimension_semantics<core_parallel>, #tpu.dimension_semantics<subcore_parallel>], iteration_bounds = array<i64: 2, 16>, scalar_prefetch = 0 : i64, scratch_operands = 3 : i64, tpu.core_type = #tpu.core_type<sc_vector_subcore>, window_params = [{transform_indices = #map}, {transform_indices = #map}, {transform_indices = #map}]} {
    %mul3A = arith.constant 2 : i32
    %mul3A_0 = arith.muli %arg1, %mul3A : i32
    %add3A = arith.addi %mul3A_0, %arg0 : i32
    "tpu.region"() ({
      %run_scoped3A = tpu.sem_alloc : memref<!tpu.dma_semaphore, #tpu.memory_space<semaphore_mem>>
      tpu.enqueue_dma source(%arg2 : memref<100352xi32, #tpu.memory_space<hbm>>) target(%arg5 : memref<100352xi32, #tpu.memory_space<vmem>>) target_semaphore(%run_scoped3A : memref<!tpu.dma_semaphore, #tpu.memory_space<semaphore_mem>>)
      tpu.wait_dma2 semaphore(%run_scoped3A : memref<!tpu.dma_semaphore, #tpu.memory_space<semaphore_mem>>) src(%arg2 : memref<100352xi32, #tpu.memory_space<hbm>>) dst(%arg5 : memref<100352xi32, #tpu.memory_space<vmem>>)
      tpu.yield
    }) : () -> ()
    %scan3A = arith.constant 0 : i32
    %scan3A_1 = arith.constant 0 : i32
    %scan3A_2 = arith.constant 50 : i32
    %scan3A_3 = arith.addi %scan3A_1, %scan3A_2 : i32
    %scan3A_4 = arith.constant 1 : i32
    %scan3A_5 = scf.for %scan3A_7 = %scan3A_1 to %scan3A_3 step %scan3A_4 iter_args(%scan3A_8 = %scan3A) -> (i32)  : i32 {
      %mul3A_9 = arith.constant 100000 : i32
      %mul3A_10 = arith.muli %add3A, %mul3A_9 : i32
      %mul3A_11 = arith.constant 2000 : i32
      %mul3A_12 = arith.muli %scan3A_7, %mul3A_11 : i32
      %add3A_13 = arith.addi %mul3A_10, %mul3A_12 : i32
      "tpu.region"() ({
        %run_scoped3A = tpu.sem_alloc : memref<!tpu.dma_semaphore, #tpu.memory_space<semaphore_mem>>
        %dma_start3A = tpu.memref_slice %arg3[%add3A_13] : memref<3200000xi32, #tpu.memory_space<hbm>> -> memref<2000xi32, #tpu.memory_space<hbm>>
        %dma_start3A_22 = tpu.memref_slice %arg3[%add3A_13] : memref<3200000xi32, #tpu.memory_space<hbm>> -> memref<2000xi32, #tpu.memory_space<hbm>>
        tpu.enqueue_dma source(%dma_start3A_22 : memref<2000xi32, #tpu.memory_space<hbm>>) target(%arg6 : memref<2000xi32, #tpu.memory_space<vmem>>) target_semaphore(%run_scoped3A : memref<!tpu.dma_semaphore, #tpu.memory_space<semaphore_mem>>)
        %dma_wait3A = tpu.memref_slice %arg3[%add3A_13] : memref<3200000xi32, #tpu.memory_space<hbm>> -> memref<2000xi32, #tpu.memory_space<hbm>>
        %dma_wait3A_23 = tpu.memref_slice %arg3[%add3A_13] : memref<3200000xi32, #tpu.memory_space<hbm>> -> memref<2000xi32, #tpu.memory_space<hbm>>
        tpu.wait_dma2 semaphore(%run_scoped3A : memref<!tpu.dma_semaphore, #tpu.memory_space<semaphore_mem>>) src(%dma_wait3A_23 : memref<2000xi32, #tpu.memory_space<hbm>>) dst(%arg6 : memref<2000xi32, #tpu.memory_space<vmem>>)
        tpu.yield
      }) : () -> ()
      %scan3A_14 = arith.constant 0 : i32
      %scan3A_15 = arith.constant 0 : i32
      %scan3A_16 = arith.constant 125 : i32
      %scan3A_17 = arith.addi %scan3A_15, %scan3A_16 : i32
      %scan3A_18 = arith.constant 1 : i32
      %scan3A_19 = scf.for %scan3A_22 = %scan3A_15 to %scan3A_17 step %scan3A_18 iter_args(%scan3A_23 = %scan3A_14) -> (i32)  : i32 {
        %mul3A_24 = arith.constant 16 : i32
        %mul3A_25 = arith.muli %scan3A_22, %mul3A_24 : i32
        %get3A = arith.index_cast %mul3A_25 : i32 to index
        %get3A_26 = tpu.vector_load %arg6[%get3A] {strides = array<i32>} : memref<2000xi32, #tpu.memory_space<vmem>>, vector<16xi32>,
        %gather3A = tpu.vector_load_idx %arg5[%get3A_26] : memref<100352xi32, #tpu.memory_space<vmem>>[vector<16xi32>], vector<16xi32>,
        %mul3A_27 = arith.constant 16 : i32
        %mul3A_28 = arith.muli %scan3A_22, %mul3A_27 : i32
        %swap3A = arith.index_cast %mul3A_28 : i32 to index
        %swap3A_29 = tpu.vector_load %arg7[%swap3A] {strides = array<i32>} : memref<2000xi32, #tpu.memory_space<vmem>>, vector<16xi32>,
        tpu.vector_store %arg7[%swap3A], %gather3A {strides = array<i32>} : memref<2000xi32, #tpu.memory_space<vmem>>, vector<16xi32>,
        %scan3A_30 = arith.constant 0 : i32
        scf.yield %scan3A_30 : i32
      }
      %scan3A_20 = arith.constant 125 : i32
      "tpu.region"() ({
        %run_scoped3A = tpu.sem_alloc : memref<!tpu.dma_semaphore, #tpu.memory_space<semaphore_mem>>
        %dma_start3A = tpu.memref_slice %arg4[%add3A_13] : memref<3200000xi32, #tpu.memory_space<hbm>> -> memref<2000xi32, #tpu.memory_space<hbm>>
        %dma_start3A_22 = tpu.memref_slice %arg4[%add3A_13] : memref<3200000xi32, #tpu.memory_space<hbm>> -> memref<2000xi32, #tpu.memory_space<hbm>>
        tpu.enqueue_dma source(%arg7 : memref<2000xi32, #tpu.memory_space<vmem>>) target(%dma_start3A_22 : memref<2000xi32, #tpu.memory_space<hbm>>) target_semaphore(%run_scoped3A : memref<!tpu.dma_semaphore, #tpu.memory_space<semaphore_mem>>)
        %dma_wait3A = tpu.memref_slice %arg4[%add3A_13] : memref<3200000xi32, #tpu.memory_space<hbm>> -> memref<2000xi32, #tpu.memory_space<hbm>>
        %dma_wait3A_23 = tpu.memref_slice %arg4[%add3A_13] : memref<3200000xi32, #tpu.memory_space<hbm>> -> memref<2000xi32, #tpu.memory_space<hbm>>
        tpu.wait_dma2 semaphore(%run_scoped3A : memref<!tpu.dma_semaphore, #tpu.memory_space<semaphore_mem>>) src(%arg7 : memref<2000xi32, #tpu.memory_space<vmem>>) dst(%dma_wait3A_23 : memref<2000xi32, #tpu.memory_space<hbm>>)
        tpu.yield
      }) : () -> ()
      %scan3A_21 = arith.constant 0 : i32
      scf.yield %scan3A_21 : i32
    }
    %scan3A_6 = arith.constant 50 : i32
    return
  }
}

module attributes {stable_mosaic.version = 14 : i64} {
  func.func @_tables_body(%arg0: i32, %arg1: memref<2x1024xf32, #tpu.memory_space<vmem>>, %arg2: memref<1x1x1024xi32, #tpu.memory_space<vmem>>, %arg3: memref<1x1x1024xi32, #tpu.memory_space<vmem>>, %arg4: memref<16x2xf32, #tpu.memory_space<vmem>>) attributes {dimension_semantics = [#tpu.dimension_semantics<arbitrary>], iteration_bounds = array<i64: 98>, scalar_prefetch = 0 : i64, scratch_operands = 0 : i64, tpu.core_type = #tpu.core_type<tc>, window_params = [{transform_indices = @transform_0, window_bounds = array<i64: 2, 1024>}, {transform_indices = @transform_1, window_bounds = array<i64: 1, 1, 1024>}, {transform_indices = @transform_2, window_bounds = array<i64: 1, 1, 1024>}, {pipeline_mode = #tpu.pipeline_mode<synchronous>, transform_indices = @transform_3, window_bounds = array<i64: 16, 2>}]} {
    %get3A = arith.constant 0 : index
    %get3A_0 = arith.constant 0 : index
    %get3A_1 = vector.load %arg1[%get3A, %get3A_0] : memref<2x1024xf32, #tpu.memory_space<vmem>>, vector<2x1024xf32>
    %reduce_sum3A = arith.constant dense<0.000000e+00> : vector<1024xf32>
    %reduce_sum3A_2 = vector.multi_reduction <add>, %get3A_1, %reduce_sum3A [0] : vector<2x1024xf32> to vector<1024xf32>
    %broadcast_in_dim3A = vector.shape_cast %reduce_sum3A_2 : vector<1024xf32> to vector<1x1024xf32>
    %get3A_3 = arith.constant 0 : index
    %get3A_4 = arith.constant 0 : index
    %get3A_5 = arith.constant 0 : index
    %get3A_6 = vector.load %arg2[%get3A_3, %get3A_4, %get3A_5] : memref<1x1x1024xi32, #tpu.memory_space<vmem>>, vector<1x1x1024xi32>
    %get3A_7 = vector.shape_cast %get3A_6 : vector<1x1x1024xi32> to vector<1x1024xi32>
    %shift_left3A = arith.constant 26 : i32
    %shift_left3A_8 = vector.broadcast %shift_left3A : i32 to vector<1x1024xi32>
    %shift_left3A_9 = arith.shli %get3A_7, %shift_left3A_8 : vector<1x1024xi32>
    %convert_element_type3A = arith.fptosi %broadcast_in_dim3A : vector<1x1024xf32> to vector<1x1024xi32>
    %or3A = arith.ori %shift_left3A_9, %convert_element_type3A : vector<1x1024xi32>
    %broadcast_in_dim3A_10 = vector.shape_cast %or3A : vector<1x1024xi32> to vector<1x1x1024xi32>
    %swap3A = arith.constant 0 : index
    %swap3A_11 = arith.constant 0 : index
    %swap3A_12 = arith.constant 0 : index
    %swap3A_13 = vector.load %arg3[%swap3A, %swap3A_11, %swap3A_12] : memref<1x1x1024xi32, #tpu.memory_space<vmem>>, vector<1x1x1024xi32>
    tpu.vector_store %arg3[%swap3A, %swap3A_11, %swap3A_12], %broadcast_in_dim3A_10 {strides = array<i32>} : memref<1x1x1024xi32, #tpu.memory_space<vmem>>, vector<1x1x1024xi32>,
    %iota3A = tpu.iota {dimensions = array<i32: 0>} : vector<16x1xi32>
    %eq3A = vector.broadcast %get3A_7 : vector<1x1024xi32> to vector<16x1024xi32>
    %eq3A_14 = vector.broadcast %iota3A : vector<16x1xi32> to vector<16x1024xi32>
    %eq3A_15 = arith.cmpi eq, %eq3A, %eq3A_14 : vector<16x1024xi32>
    %convert_element_type3A_16 = arith.extui %eq3A_15 : vector<16x1024xi1> to vector<16x1024xi32>
    %convert_element_type3A_17 = arith.sitofp %convert_element_type3A_16 : vector<16x1024xi32> to vector<16x1024xf32>
    %gt3A = arith.constant 0.000000e+00 : f32
    %gt3A_18 = vector.broadcast %gt3A : f32 to vector<1x1024xf32>
    %gt3A_19 = arith.cmpf ogt, %broadcast_in_dim3A, %gt3A_18 : vector<1x1024xf32>
    %convert_element_type3A_20 = arith.extui %gt3A_19 : vector<1x1024xi1> to vector<1x1024xi32>
    %convert_element_type3A_21 = arith.sitofp %convert_element_type3A_20 : vector<1x1024xi32> to vector<1x1024xf32>
    %broadcast_in_dim3A_22 = arith.constant 1.000000e+00 : f32
    %broadcast_in_dim3A_23 = vector.broadcast %broadcast_in_dim3A_22 : f32 to vector<1x1024xf32>
    %concatenate3A = tpu.concatenate %broadcast_in_dim3A_23, %convert_element_type3A_21 in 0 : vector<1x1024xf32>, vector<1x1024xf32> -> vector<2x1024xf32>
    %dot_general3A = arith.constant dense<0.000000e+00> : vector<16x2xf32>
    %dot_general3A_24 = tpu.matmul %convert_element_type3A_17, %concatenate3A, %dot_general3A {dimension_numbers = #tpu.dot_dimension_numbers<[1], [1], [0], [0], [0, 0, 1, 0], [], []>, transpose_lhs_hint = false} : vector<16x1024xf32>, vector<2x1024xf32>, vector<16x2xf32> -> vector<16x2xf32>
    %eq3A_25 = arith.constant 0 : i32
    %eq3A_26 = arith.cmpi eq, %arg0, %eq3A_25 : i32
    %convert_element_type3A_27 = arith.extui %eq3A_26 : i1 to i32
    %cond3A = arith.constant 0 : i32
    %cond3A_28 = arith.cmpi ne, %convert_element_type3A_27, %cond3A : i32
    scf.if %cond3A_28 {
      %swap3A_34 = arith.constant 0 : index
      %swap3A_35 = arith.constant 0 : index
      %swap3A_36 = vector.load %arg4[%swap3A_34, %swap3A_35] : memref<16x2xf32, #tpu.memory_space<vmem>>, vector<16x2xf32>
      tpu.vector_store %arg4[%swap3A_34, %swap3A_35], %dot_general3A_24 {strides = array<i32>} : memref<16x2xf32, #tpu.memory_space<vmem>>, vector<16x2xf32>,
    } else {
    }
    %gt3A_29 = arith.constant 0 : i32
    %gt3A_30 = arith.cmpi sgt, %arg0, %gt3A_29 : i32
    %convert_element_type3A_31 = arith.extui %gt3A_30 : i1 to i32
    %cond3A_32 = arith.constant 0 : i32
    %cond3A_33 = arith.cmpi ne, %convert_element_type3A_31, %cond3A_32 : i32
    scf.if %cond3A_33 {
      %get3A_34 = arith.constant 0 : index
      %get3A_35 = arith.constant 0 : index
      %get3A_36 = vector.load %arg4[%get3A_34, %get3A_35] : memref<16x2xf32, #tpu.memory_space<vmem>>, vector<16x2xf32>
      %add3A = arith.addf %get3A_36, %dot_general3A_24 : vector<16x2xf32>
      %swap3A_37 = arith.constant 0 : index
      %swap3A_38 = arith.constant 0 : index
      %swap3A_39 = vector.load %arg4[%swap3A_37, %swap3A_38] : memref<16x2xf32, #tpu.memory_space<vmem>>, vector<16x2xf32>
      tpu.vector_store %arg4[%swap3A_37, %swap3A_38], %add3A {strides = array<i32>} : memref<16x2xf32, #tpu.memory_space<vmem>>, vector<16x2xf32>,
    } else {
    }
    return
  }
  func.func @transform_0(%arg0: i32) -> (i32, i32) {
    %c0_i32 = arith.constant 0 : i32
    %c0_i32_0 = arith.constant 0 : i32
    return %c0_i32, %arg0 : i32, i32
  }
  func.func @transform_1(%arg0: i32) -> (i32, i32, i32) {
    %c0_i32 = arith.constant 0 : i32
    %c0_i32_0 = arith.constant 0 : i32
    %c0_i32_1 = arith.constant 0 : i32
    return %arg0, %c0_i32, %c0_i32_0 : i32, i32, i32
  }
  func.func @transform_2(%arg0: i32) -> (i32, i32, i32) {
    %c0_i32 = arith.constant 0 : i32
    %c0_i32_0 = arith.constant 0 : i32
    %c0_i32_1 = arith.constant 0 : i32
    return %arg0, %c0_i32, %c0_i32_0 : i32, i32, i32
  }
  func.func @transform_3(%arg0: i32) -> (i32, i32) {
    %c0_i32 = arith.constant 0 : i32
    %c0_i32_0 = arith.constant 0 : i32
    %c0_i32_1 = arith.constant 0 : i32
    return %c0_i32, %c0_i32_0 : i32, i32
  }
}

module attributes {stable_mosaic.version = 14 : i64} {
  func.func @_edges_body(%arg0: i32, %arg1: memref<800x128xf32, #tpu.memory_space<vmem>>, %arg2: memref<800x128xf32, #tpu.memory_space<vmem>>, %arg3: memref<800x128xf32, #tpu.memory_space<vmem>>, %arg4: memref<1x1x6400xi32, #tpu.memory_space<vmem>>, %arg5: memref<128x48xf32, #tpu.memory_space<vmem>>, %arg6: memref<64x1xf32, #tpu.memory_space<vmem>>, %arg7: memref<80x64xf32, #tpu.memory_space<vmem>>, %arg8: memref<80x1xf32, #tpu.memory_space<vmem>>, %arg9: memref<64x80xf32, #tpu.memory_space<vmem>>, %arg10: memref<64x1xf32, #tpu.memory_space<vmem>>, %arg11: memref<16x64xf32, #tpu.memory_space<vmem>>) attributes {dimension_semantics = [#tpu.dimension_semantics<arbitrary>], iteration_bounds = array<i64: 500>, scalar_prefetch = 0 : i64, scratch_operands = 0 : i64, tpu.core_type = #tpu.core_type<tc>, window_params = [{transform_indices = @transform_0, window_bounds = array<i64: 800, 128>}, {transform_indices = @transform_1, window_bounds = array<i64: 800, 128>}, {transform_indices = @transform_2, window_bounds = array<i64: 800, 128>}, {transform_indices = @transform_3, window_bounds = array<i64: 1, 1, 6400>}, {pipeline_mode = #tpu.pipeline_mode<synchronous>, transform_indices = @transform_4, window_bounds = array<i64: 128, 48>}, {pipeline_mode = #tpu.pipeline_mode<synchronous>, transform_indices = @transform_5, window_bounds = array<i64: 64, 1>}, {pipeline_mode = #tpu.pipeline_mode<synchronous>, transform_indices = @transform_6, window_bounds = array<i64: 80, 64>}, {pipeline_mode = #tpu.pipeline_mode<synchronous>, transform_indices = @transform_7, window_bounds = array<i64: 80, 1>}, {pipeline_mode = #tpu.pipeline_mode<synchronous>, transform_indices = @transform_8, window_bounds = array<i64: 64, 80>}, {pipeline_mode = #tpu.pipeline_mode<synchronous>, transform_indices = @transform_9, window_bounds = array<i64: 64, 1>}, {pipeline_mode = #tpu.pipeline_mode<synchronous>, transform_indices = @transform_10, window_bounds = array<i64: 16, 64>}]} {
    %get3A = arith.constant 0 : index
    %get3A_0 = arith.constant 0 : index
    %get3A_1 = vector.load %arg1[%get3A, %get3A_0] : memref<800x128xf32, #tpu.memory_space<vmem>>, vector<800x128xf32>
    %transpose3A = tpu.transpose %get3A_1, [1, 0] : vector<800x128xf32> -> vector<128x800xf32>
    %get3A_2 = arith.constant 0 : index
    %get3A_3 = arith.constant 0 : index
    %get3A_4 = vector.load %arg2[%get3A_2, %get3A_3] : memref<800x128xf32, #tpu.memory_space<vmem>>, vector<800x128xf32>
    %transpose3A_5 = tpu.transpose %get3A_4, [1, 0] : vector<800x128xf32> -> vector<128x800xf32>
    %get3A_6 = arith.constant 0 : index
    %get3A_7 = arith.constant 0 : index
    %get3A_8 = vector.load %arg3[%get3A_6, %get3A_7] : memref<800x128xf32, #tpu.memory_space<vmem>>, vector<800x128xf32>
    %transpose3A_9 = tpu.transpose %get3A_8, [1, 0] : vector<800x128xf32> -> vector<128x800xf32>
    %get3A_10 = arith.constant 0 : index
    %get3A_11 = arith.constant 0 : index
    %get3A_12 = vector.load %arg5[%get3A_10, %get3A_11] : memref<128x48xf32, #tpu.memory_space<vmem>>, vector<128x48xf32>
    %convert_element_type3A = arith.truncf %get3A_12 : vector<128x48xf32> to vector<128x48xbf16>
    %get3A_13 = arith.constant 0 : index
    %get3A_14 = arith.constant 0 : index
    %get3A_15 = vector.load %arg9[%get3A_13, %get3A_14] : memref<64x80xf32, #tpu.memory_space<vmem>>, vector<64x80xf32>
    %convert_element_type3A_16 = arith.truncf %get3A_15 : vector<64x80xf32> to vector<64x80xbf16>
    %get3A_17 = arith.constant 0 : index
    %get3A_18 = arith.constant 0 : index
    %get3A_19 = vector.load %arg7[%get3A_17, %get3A_18] : memref<80x64xf32, #tpu.memory_space<vmem>>, vector<80x64xf32>
    %convert_element_type3A_20 = arith.truncf %get3A_19 : vector<80x64xf32> to vector<80x64xbf16>
    %dot_general3A = arith.constant dense<0.000000e+00> : vector<64x64xf32>
    %dot_general3A_21 = tpu.matmul %convert_element_type3A_16, %convert_element_type3A_20, %dot_general3A {dimension_numbers = #tpu.dot_dimension_numbers<[1], [0], [0], [1], [0, 0, 1, 1], [], []>, transpose_lhs_hint = false} : vector<64x80xbf16>, vector<80x64xbf16>, vector<64x64xf32> -> vector<64x64xf32>
    %get3A_22 = arith.constant 0 : index
    %get3A_23 = arith.constant 0 : index
    %get3A_24 = vector.load %arg9[%get3A_22, %get3A_23] : memref<64x80xf32, #tpu.memory_space<vmem>>, vector<64x80xf32>
    %get3A_25 = arith.constant 0 : index
    %get3A_26 = arith.constant 0 : index
    %get3A_27 = vector.load %arg8[%get3A_25, %get3A_26] : memref<80x1xf32, #tpu.memory_space<vmem>>, vector<80x1xf32>
    %dot_general3A_28 = arith.constant dense<0.000000e+00> : vector<64x1xf32>
    %dot_general3A_29 = tpu.matmul %get3A_24, %get3A_27, %dot_general3A_28 {dimension_numbers = #tpu.dot_dimension_numbers<[1], [0], [0], [1], [0, 0, 1, 1], [], []>, transpose_lhs_hint = false} : vector<64x80xf32>, vector<80x1xf32>, vector<64x1xf32> -> vector<64x1xf32>
    %get3A_30 = arith.constant 0 : index
    %get3A_31 = arith.constant 0 : index
    %get3A_32 = vector.load %arg10[%get3A_30, %get3A_31] : memref<64x1xf32, #tpu.memory_space<vmem>>, vector<64x1xf32>
    %add3A = arith.addf %dot_general3A_29, %get3A_32 : vector<64x1xf32>
    %convert_element_type3A_33 = arith.truncf %dot_general3A_21 : vector<64x64xf32> to vector<64x64xbf16>
    %get3A_34 = arith.constant 0 : index
    %get3A_35 = arith.constant 0 : index
    %get3A_36 = arith.constant 0 : index
    %get3A_37 = vector.load %arg4[%get3A_34, %get3A_35, %get3A_36] : memref<1x1x6400xi32, #tpu.memory_space<vmem>>, vector<1x1x6400xi32>
    %get3A_38 = vector.shape_cast %get3A_37 : vector<1x1x6400xi32> to vector<1x6400xi32>
    %iota3A = tpu.iota {dimensions = array<i32: 0>} : vector<16x1xi32>
    %broadcast_in_dim3A = arith.constant 0.000000e+00 : f32
    %broadcast_in_dim3A_39 = vector.broadcast %broadcast_in_dim3A : f32 to vector<16x64xf32>
    %slice3A = vector.extract_strided_slice %transpose3A {offsets = [0, 0], sizes = [16, 800], strides = [1, 1]} : vector<128x800xf32> to vector<16x800xf32>
    %slice3A_40 = vector.extract_strided_slice %transpose3A_5 {offsets = [0, 0], sizes = [16, 800], strides = [1, 1]} : vector<128x800xf32> to vector<16x800xf32>
    %slice3A_41 = vector.extract_strided_slice %transpose3A_9 {offsets = [0, 0], sizes = [16, 800], strides = [1, 1]} : vector<128x800xf32> to vector<16x800xf32>
    %concatenate3A = tpu.concatenate %slice3A, %slice3A_40, %slice3A_41 in 0 : vector<16x800xf32>, vector<16x800xf32>, vector<16x800xf32> -> vector<48x800xf32>
    %convert_element_type3A_42 = arith.truncf %concatenate3A : vector<48x800xf32> to vector<48x800xbf16>
    %dot_general3A_43 = arith.constant dense<0.000000e+00> : vector<128x800xf32>
    %dot_general3A_44 = tpu.matmul %convert_element_type3A, %convert_element_type3A_42, %dot_general3A_43 {dimension_numbers = #tpu.dot_dimension_numbers<[1], [0], [0], [1], [0, 0, 1, 1], [], []>, transpose_lhs_hint = false} : vector<128x48xbf16>, vector<48x800xbf16>, vector<128x800xf32> -> vector<128x800xf32>
    %slice3A_45 = vector.extract_strided_slice %dot_general3A_44 {offsets = [0, 0], sizes = [64, 800], strides = [1, 1]} : vector<128x800xf32> to vector<64x800xf32>
    %get3A_46 = arith.constant 0 : index
    %get3A_47 = arith.constant 0 : index
    %get3A_48 = vector.load %arg6[%get3A_46, %get3A_47] : memref<64x1xf32, #tpu.memory_space<vmem>>, vector<64x1xf32>
    %add3A_49 = vector.broadcast %get3A_48 : vector<64x1xf32> to vector<64x800xf32>
    %add3A_50 = arith.addf %slice3A_45, %add3A_49 : vector<64x800xf32>
    %max3A = arith.constant 0.000000e+00 : f32
    %max3A_51 = vector.broadcast %max3A : f32 to vector<64x800xf32>
    %max3A_52 = arith.maximumf %add3A_50, %max3A_51 : vector<64x800xf32>
    %slice3A_53 = vector.extract_strided_slice %dot_general3A_44 {offsets = [64, 0], sizes = [64, 800], strides = [1, 1]} : vector<128x800xf32> to vector<64x800xf32>
    %convert_element_type3A_54 = arith.truncf %max3A_52 : vector<64x800xf32> to vector<64x800xbf16>
    %dot_general3A_55 = arith.constant dense<0.000000e+00> : vector<64x800xf32>
    %dot_general3A_56 = tpu.matmul %convert_element_type3A_33, %convert_element_type3A_54, %dot_general3A_55 {dimension_numbers = #tpu.dot_dimension_numbers<[1], [0], [0], [1], [0, 0, 1, 1], [], []>, transpose_lhs_hint = false} : vector<64x64xbf16>, vector<64x800xbf16>, vector<64x800xf32> -> vector<64x800xf32>
    %add3A_57 = arith.addf %slice3A_53, %dot_general3A_56 : vector<64x800xf32>
    %add3A_58 = vector.broadcast %add3A : vector<64x1xf32> to vector<64x800xf32>
    %add3A_59 = arith.addf %add3A_57, %add3A_58 : vector<64x800xf32>
    %max3A_60 = arith.constant 0.000000e+00 : f32
    %max3A_61 = vector.broadcast %max3A_60 : f32 to vector<64x800xf32>
    %max3A_62 = arith.maximumf %add3A_59, %max3A_61 : vector<64x800xf32>
    %slice3A_63 = vector.extract_strided_slice %get3A_38 {offsets = [0, 0], sizes = [1, 800], strides = [1, 1]} : vector<1x6400xi32> to vector<1x800xi32>
    %shift_right_arithmetic3A = arith.constant 26 : i32
    %shift_right_arithmetic3A_64 = vector.broadcast %shift_right_arithmetic3A : i32 to vector<1x800xi32>
    %shift_right_arithmetic3A_65 = arith.shrsi %slice3A_63, %shift_right_arithmetic3A_64 : vector<1x800xi32>
    %and3A = arith.constant 67108863 : i32
    %and3A_66 = vector.broadcast %and3A : i32 to vector<1x800xi32>
    %and3A_67 = arith.andi %slice3A_63, %and3A_66 : vector<1x800xi32>
    %convert_element_type3A_68 = arith.sitofp %and3A_67 : vector<1x800xi32> to vector<1x800xf32>
    %max3A_69 = arith.constant 1.000000e+00 : f32
    %max3A_70 = vector.broadcast %max3A_69 : f32 to vector<1x800xf32>
    %max3A_71 = arith.maximumf %convert_element_type3A_68, %max3A_70 : vector<1x800xf32>
    %div3A = arith.constant 1.000000e+00 : f32
    %div3A_72 = vector.broadcast %div3A : f32 to vector<1x800xf32>
    %div3A_73 = arith.divf %div3A_72, %max3A_71 : vector<1x800xf32>
    %eq3A = vector.broadcast %shift_right_arithmetic3A_65 : vector<1x800xi32> to vector<16x800xi32>
    %eq3A_74 = vector.broadcast %iota3A : vector<16x1xi32> to vector<16x800xi32>
    %eq3A_75 = arith.cmpi eq, %eq3A, %eq3A_74 : vector<16x800xi32>
    %convert_element_type3A_76 = arith.extui %eq3A_75 : vector<16x800xi1> to vector<16x800xi32>
    %convert_element_type3A_77 = arith.sitofp %convert_element_type3A_76 : vector<16x800xi32> to vector<16x800xf32>
    %mul3A = vector.broadcast %div3A_73 : vector<1x800xf32> to vector<16x800xf32>
    %mul3A_78 = arith.mulf %convert_element_type3A_77, %mul3A : vector<16x800xf32>
    %dot_general3A_79 = arith.constant dense<0.000000e+00> : vector<16x64xf32>
    %dot_general3A_80 = tpu.matmul %mul3A_78, %max3A_62, %dot_general3A_79 {dimension_numbers = #tpu.dot_dimension_numbers<[1], [1], [0], [0], [0, 0, 1, 0], [], []>, transpose_lhs_hint = false} : vector<16x800xf32>, vector<64x800xf32>, vector<16x64xf32> -> vector<16x64xf32>
    %add3A_81 = arith.addf %broadcast_in_dim3A_39, %dot_general3A_80 : vector<16x64xf32>
    %slice3A_82 = vector.extract_strided_slice %transpose3A {offsets = [16, 0], sizes = [16, 800], strides = [1, 1]} : vector<128x800xf32> to vector<16x800xf32>
    %slice3A_83 = vector.extract_strided_slice %transpose3A_5 {offsets = [16, 0], sizes = [16, 800], strides = [1, 1]} : vector<128x800xf32> to vector<16x800xf32>
    %slice3A_84 = vector.extract_strided_slice %transpose3A_9 {offsets = [16, 0], sizes = [16, 800], strides = [1, 1]} : vector<128x800xf32> to vector<16x800xf32>
    %concatenate3A_85 = tpu.concatenate %slice3A_82, %slice3A_83, %slice3A_84 in 0 : vector<16x800xf32>, vector<16x800xf32>, vector<16x800xf32> -> vector<48x800xf32>
    %convert_element_type3A_86 = arith.truncf %concatenate3A_85 : vector<48x800xf32> to vector<48x800xbf16>
    %dot_general3A_87 = arith.constant dense<0.000000e+00> : vector<128x800xf32>
    %dot_general3A_88 = tpu.matmul %convert_element_type3A, %convert_element_type3A_86, %dot_general3A_87 {dimension_numbers = #tpu.dot_dimension_numbers<[1], [0], [0], [1], [0, 0, 1, 1], [], []>, transpose_lhs_hint = false} : vector<128x48xbf16>, vector<48x800xbf16>, vector<128x800xf32> -> vector<128x800xf32>
    %slice3A_89 = vector.extract_strided_slice %dot_general3A_88 {offsets = [0, 0], sizes = [64, 800], strides = [1, 1]} : vector<128x800xf32> to vector<64x800xf32>
    %get3A_90 = arith.constant 0 : index
    %get3A_91 = arith.constant 0 : index
    %get3A_92 = vector.load %arg6[%get3A_90, %get3A_91] : memref<64x1xf32, #tpu.memory_space<vmem>>, vector<64x1xf32>
    %add3A_93 = vector.broadcast %get3A_92 : vector<64x1xf32> to vector<64x800xf32>
    %add3A_94 = arith.addf %slice3A_89, %add3A_93 : vector<64x800xf32>
    %max3A_95 = arith.constant 0.000000e+00 : f32
    %max3A_96 = vector.broadcast %max3A_95 : f32 to vector<64x800xf32>
    %max3A_97 = arith.maximumf %add3A_94, %max3A_96 : vector<64x800xf32>
    %slice3A_98 = vector.extract_strided_slice %dot_general3A_88 {offsets = [64, 0], sizes = [64, 800], strides = [1, 1]} : vector<128x800xf32> to vector<64x800xf32>
    %convert_element_type3A_99 = arith.truncf %max3A_97 : vector<64x800xf32> to vector<64x800xbf16>
    %dot_general3A_100 = arith.constant dense<0.000000e+00> : vector<64x800xf32>
    %dot_general3A_101 = tpu.matmul %convert_element_type3A_33, %convert_element_type3A_99, %dot_general3A_100 {dimension_numbers = #tpu.dot_dimension_numbers<[1], [0], [0], [1], [0, 0, 1, 1], [], []>, transpose_lhs_hint = false} : vector<64x64xbf16>, vector<64x800xbf16>, vector<64x800xf32> -> vector<64x800xf32>
    %add3A_102 = arith.addf %slice3A_98, %dot_general3A_101 : vector<64x800xf32>
    %add3A_103 = vector.broadcast %add3A : vector<64x1xf32> to vector<64x800xf32>
    %add3A_104 = arith.addf %add3A_102, %add3A_103 : vector<64x800xf32>
    %max3A_105 = arith.constant 0.000000e+00 : f32
    %max3A_106 = vector.broadcast %max3A_105 : f32 to vector<64x800xf32>
    %max3A_107 = arith.maximumf %add3A_104, %max3A_106 : vector<64x800xf32>
    %slice3A_108 = vector.extract_strided_slice %get3A_38 {offsets = [0, 800], sizes = [1, 800], strides = [1, 1]} : vector<1x6400xi32> to vector<1x800xi32>
    %shift_right_arithmetic3A_109 = arith.constant 26 : i32
    %shift_right_arithmetic3A_110 = vector.broadcast %shift_right_arithmetic3A_109 : i32 to vector<1x800xi32>
    %shift_right_arithmetic3A_111 = arith.shrsi %slice3A_108, %shift_right_arithmetic3A_110 : vector<1x800xi32>
    %and3A_112 = arith.constant 67108863 : i32
    %and3A_113 = vector.broadcast %and3A_112 : i32 to vector<1x800xi32>
    %and3A_114 = arith.andi %slice3A_108, %and3A_113 : vector<1x800xi32>
    %convert_element_type3A_115 = arith.sitofp %and3A_114 : vector<1x800xi32> to vector<1x800xf32>
    %max3A_116 = arith.constant 1.000000e+00 : f32
    %max3A_117 = vector.broadcast %max3A_116 : f32 to vector<1x800xf32>
    %max3A_118 = arith.maximumf %convert_element_type3A_115, %max3A_117 : vector<1x800xf32>
    %div3A_119 = arith.constant 1.000000e+00 : f32
    %div3A_120 = vector.broadcast %div3A_119 : f32 to vector<1x800xf32>
    %div3A_121 = arith.divf %div3A_120, %max3A_118 : vector<1x800xf32>
    %eq3A_122 = vector.broadcast %shift_right_arithmetic3A_111 : vector<1x800xi32> to vector<16x800xi32>
    %eq3A_123 = vector.broadcast %iota3A : vector<16x1xi32> to vector<16x800xi32>
    %eq3A_124 = arith.cmpi eq, %eq3A_122, %eq3A_123 : vector<16x800xi32>
    %convert_element_type3A_125 = arith.extui %eq3A_124 : vector<16x800xi1> to vector<16x800xi32>
    %convert_element_type3A_126 = arith.sitofp %convert_element_type3A_125 : vector<16x800xi32> to vector<16x800xf32>
    %mul3A_127 = vector.broadcast %div3A_121 : vector<1x800xf32> to vector<16x800xf32>
    %mul3A_128 = arith.mulf %convert_element_type3A_126, %mul3A_127 : vector<16x800xf32>
    %dot_general3A_129 = arith.constant dense<0.000000e+00> : vector<16x64xf32>
    %dot_general3A_130 = tpu.matmul %mul3A_128, %max3A_107, %dot_general3A_129 {dimension_numbers = #tpu.dot_dimension_numbers<[1], [1], [0], [0], [0, 0, 1, 0], [], []>, transpose_lhs_hint = false} : vector<16x800xf32>, vector<64x800xf32>, vector<16x64xf32> -> vector<16x64xf32>
    %add3A_131 = arith.addf %add3A_81, %dot_general3A_130 : vector<16x64xf32>
    %slice3A_132 = vector.extract_strided_slice %transpose3A {offsets = [32, 0], sizes = [16, 800], strides = [1, 1]} : vector<128x800xf32> to vector<16x800xf32>
    %slice3A_133 = vector.extract_strided_slice %transpose3A_5 {offsets = [32, 0], sizes = [16, 800], strides = [1, 1]} : vector<128x800xf32> to vector<16x800xf32>
    %slice3A_134 = vector.extract_strided_slice %transpose3A_9 {offsets = [32, 0], sizes = [16, 800], strides = [1, 1]} : vector<128x800xf32> to vector<16x800xf32>
    %concatenate3A_135 = tpu.concatenate %slice3A_132, %slice3A_133, %slice3A_134 in 0 : vector<16x800xf32>, vector<16x800xf32>, vector<16x800xf32> -> vector<48x800xf32>
    %convert_element_type3A_136 = arith.truncf %concatenate3A_135 : vector<48x800xf32> to vector<48x800xbf16>
    %dot_general3A_137 = arith.constant dense<0.000000e+00> : vector<128x800xf32>
    %dot_general3A_138 = tpu.matmul %convert_element_type3A, %convert_element_type3A_136, %dot_general3A_137 {dimension_numbers = #tpu.dot_dimension_numbers<[1], [0], [0], [1], [0, 0, 1, 1], [], []>, transpose_lhs_hint = false} : vector<128x48xbf16>, vector<48x800xbf16>, vector<128x800xf32> -> vector<128x800xf32>
    %slice3A_139 = vector.extract_strided_slice %dot_general3A_138 {offsets = [0, 0], sizes = [64, 800], strides = [1, 1]} : vector<128x800xf32> to vector<64x800xf32>
    %get3A_140 = arith.constant 0 : index
    %get3A_141 = arith.constant 0 : index
    %get3A_142 = vector.load %arg6[%get3A_140, %get3A_141] : memref<64x1xf32, #tpu.memory_space<vmem>>, vector<64x1xf32>
    %add3A_143 = vector.broadcast %get3A_142 : vector<64x1xf32> to vector<64x800xf32>
    %add3A_144 = arith.addf %slice3A_139, %add3A_143 : vector<64x800xf32>
    %max3A_145 = arith.constant 0.000000e+00 : f32
    %max3A_146 = vector.broadcast %max3A_145 : f32 to vector<64x800xf32>
    %max3A_147 = arith.maximumf %add3A_144, %max3A_146 : vector<64x800xf32>
    %slice3A_148 = vector.extract_strided_slice %dot_general3A_138 {offsets = [64, 0], sizes = [64, 800], strides = [1, 1]} : vector<128x800xf32> to vector<64x800xf32>
    %convert_element_type3A_149 = arith.truncf %max3A_147 : vector<64x800xf32> to vector<64x800xbf16>
    %dot_general3A_150 = arith.constant dense<0.000000e+00> : vector<64x800xf32>
    %dot_general3A_151 = tpu.matmul %convert_element_type3A_33, %convert_element_type3A_149, %dot_general3A_150 {dimension_numbers = #tpu.dot_dimension_numbers<[1], [0], [0], [1], [0, 0, 1, 1], [], []>, transpose_lhs_hint = false} : vector<64x64xbf16>, vector<64x800xbf16>, vector<64x800xf32> -> vector<64x800xf32>
    %add3A_152 = arith.addf %slice3A_148, %dot_general3A_151 : vector<64x800xf32>
    %add3A_153 = vector.broadcast %add3A : vector<64x1xf32> to vector<64x800xf32>
    %add3A_154 = arith.addf %add3A_152, %add3A_153 : vector<64x800xf32>
    %max3A_155 = arith.constant 0.000000e+00 : f32
    %max3A_156 = vector.broadcast %max3A_155 : f32 to vector<64x800xf32>
    %max3A_157 = arith.maximumf %add3A_154, %max3A_156 : vector<64x800xf32>
    %slice3A_158 = vector.extract_strided_slice %get3A_38 {offsets = [0, 1600], sizes = [1, 800], strides = [1, 1]} : vector<1x6400xi32> to vector<1x800xi32>
    %shift_right_arithmetic3A_159 = arith.constant 26 : i32
    %shift_right_arithmetic3A_160 = vector.broadcast %shift_right_arithmetic3A_159 : i32 to vector<1x800xi32>
    %shift_right_arithmetic3A_161 = arith.shrsi %slice3A_158, %shift_right_arithmetic3A_160 : vector<1x800xi32>
    %and3A_162 = arith.constant 67108863 : i32
    %and3A_163 = vector.broadcast %and3A_162 : i32 to vector<1x800xi32>
    %and3A_164 = arith.andi %slice3A_158, %and3A_163 : vector<1x800xi32>
    %convert_element_type3A_165 = arith.sitofp %and3A_164 : vector<1x800xi32> to vector<1x800xf32>
    %max3A_166 = arith.constant 1.000000e+00 : f32
    %max3A_167 = vector.broadcast %max3A_166 : f32 to vector<1x800xf32>
    %max3A_168 = arith.maximumf %convert_element_type3A_165, %max3A_167 : vector<1x800xf32>
    %div3A_169 = arith.constant 1.000000e+00 : f32
    %div3A_170 = vector.broadcast %div3A_169 : f32 to vector<1x800xf32>
    %div3A_171 = arith.divf %div3A_170, %max3A_168 : vector<1x800xf32>
    %eq3A_172 = vector.broadcast %shift_right_arithmetic3A_161 : vector<1x800xi32> to vector<16x800xi32>
    %eq3A_173 = vector.broadcast %iota3A : vector<16x1xi32> to vector<16x800xi32>
    %eq3A_174 = arith.cmpi eq, %eq3A_172, %eq3A_173 : vector<16x800xi32>
    %convert_element_type3A_175 = arith.extui %eq3A_174 : vector<16x800xi1> to vector<16x800xi32>
    %convert_element_type3A_176 = arith.sitofp %convert_element_type3A_175 : vector<16x800xi32> to vector<16x800xf32>
    %mul3A_177 = vector.broadcast %div3A_171 : vector<1x800xf32> to vector<16x800xf32>
    %mul3A_178 = arith.mulf %convert_element_type3A_176, %mul3A_177 : vector<16x800xf32>
    %dot_general3A_179 = arith.constant dense<0.000000e+00> : vector<16x64xf32>
    %dot_general3A_180 = tpu.matmul %mul3A_178, %max3A_157, %dot_general3A_179 {dimension_numbers = #tpu.dot_dimension_numbers<[1], [1], [0], [0], [0, 0, 1, 0], [], []>, transpose_lhs_hint = false} : vector<16x800xf32>, vector<64x800xf32>, vector<16x64xf32> -> vector<16x64xf32>
    %add3A_181 = arith.addf %add3A_131, %dot_general3A_180 : vector<16x64xf32>
    %slice3A_182 = vector.extract_strided_slice %transpose3A {offsets = [48, 0], sizes = [16, 800], strides = [1, 1]} : vector<128x800xf32> to vector<16x800xf32>
    %slice3A_183 = vector.extract_strided_slice %transpose3A_5 {offsets = [48, 0], sizes = [16, 800], strides = [1, 1]} : vector<128x800xf32> to vector<16x800xf32>
    %slice3A_184 = vector.extract_strided_slice %transpose3A_9 {offsets = [48, 0], sizes = [16, 800], strides = [1, 1]} : vector<128x800xf32> to vector<16x800xf32>
    %concatenate3A_185 = tpu.concatenate %slice3A_182, %slice3A_183, %slice3A_184 in 0 : vector<16x800xf32>, vector<16x800xf32>, vector<16x800xf32> -> vector<48x800xf32>
    %convert_element_type3A_186 = arith.truncf %concatenate3A_185 : vector<48x800xf32> to vector<48x800xbf16>
    %dot_general3A_187 = arith.constant dense<0.000000e+00> : vector<128x800xf32>
    %dot_general3A_188 = tpu.matmul %convert_element_type3A, %convert_element_type3A_186, %dot_general3A_187 {dimension_numbers = #tpu.dot_dimension_numbers<[1], [0], [0], [1], [0, 0, 1, 1], [], []>, transpose_lhs_hint = false} : vector<128x48xbf16>, vector<48x800xbf16>, vector<128x800xf32> -> vector<128x800xf32>
    %slice3A_189 = vector.extract_strided_slice %dot_general3A_188 {offsets = [0, 0], sizes = [64, 800], strides = [1, 1]} : vector<128x800xf32> to vector<64x800xf32>
    %get3A_190 = arith.constant 0 : index
    %get3A_191 = arith.constant 0 : index
    %get3A_192 = vector.load %arg6[%get3A_190, %get3A_191] : memref<64x1xf32, #tpu.memory_space<vmem>>, vector<64x1xf32>
    %add3A_193 = vector.broadcast %get3A_192 : vector<64x1xf32> to vector<64x800xf32>
    %add3A_194 = arith.addf %slice3A_189, %add3A_193 : vector<64x800xf32>
    %max3A_195 = arith.constant 0.000000e+00 : f32
    %max3A_196 = vector.broadcast %max3A_195 : f32 to vector<64x800xf32>
    %max3A_197 = arith.maximumf %add3A_194, %max3A_196 : vector<64x800xf32>
    %slice3A_198 = vector.extract_strided_slice %dot_general3A_188 {offsets = [64, 0], sizes = [64, 800], strides = [1, 1]} : vector<128x800xf32> to vector<64x800xf32>
    %convert_element_type3A_199 = arith.truncf %max3A_197 : vector<64x800xf32> to vector<64x800xbf16>
    %dot_general3A_200 = arith.constant dense<0.000000e+00> : vector<64x800xf32>
    %dot_general3A_201 = tpu.matmul %convert_element_type3A_33, %convert_element_type3A_199, %dot_general3A_200 {dimension_numbers = #tpu.dot_dimension_numbers<[1], [0], [0], [1], [0, 0, 1, 1], [], []>, transpose_lhs_hint = false} : vector<64x64xbf16>, vector<64x800xbf16>, vector<64x800xf32> -> vector<64x800xf32>
    %add3A_202 = arith.addf %slice3A_198, %dot_general3A_201 : vector<64x800xf32>
    %add3A_203 = vector.broadcast %add3A : vector<64x1xf32> to vector<64x800xf32>
    %add3A_204 = arith.addf %add3A_202, %add3A_203 : vector<64x800xf32>
    %max3A_205 = arith.constant 0.000000e+00 : f32
    %max3A_206 = vector.broadcast %max3A_205 : f32 to vector<64x800xf32>
    %max3A_207 = arith.maximumf %add3A_204, %max3A_206 : vector<64x800xf32>
    %slice3A_208 = vector.extract_strided_slice %get3A_38 {offsets = [0, 2400], sizes = [1, 800], strides = [1, 1]} : vector<1x6400xi32> to vector<1x800xi32>
    %shift_right_arithmetic3A_209 = arith.constant 26 : i32
    %shift_right_arithmetic3A_210 = vector.broadcast %shift_right_arithmetic3A_209 : i32 to vector<1x800xi32>
    %shift_right_arithmetic3A_211 = arith.shrsi %slice3A_208, %shift_right_arithmetic3A_210 : vector<1x800xi32>
    %and3A_212 = arith.constant 67108863 : i32
    %and3A_213 = vector.broadcast %and3A_212 : i32 to vector<1x800xi32>
    %and3A_214 = arith.andi %slice3A_208, %and3A_213 : vector<1x800xi32>
    %convert_element_type3A_215 = arith.sitofp %and3A_214 : vector<1x800xi32> to vector<1x800xf32>
    %max3A_216 = arith.constant 1.000000e+00 : f32
    %max3A_217 = vector.broadcast %max3A_216 : f32 to vector<1x800xf32>
    %max3A_218 = arith.maximumf %convert_element_type3A_215, %max3A_217 : vector<1x800xf32>
    %div3A_219 = arith.constant 1.000000e+00 : f32
    %div3A_220 = vector.broadcast %div3A_219 : f32 to vector<1x800xf32>
    %div3A_221 = arith.divf %div3A_220, %max3A_218 : vector<1x800xf32>
    %eq3A_222 = vector.broadcast %shift_right_arithmetic3A_211 : vector<1x800xi32> to vector<16x800xi32>
    %eq3A_223 = vector.broadcast %iota3A : vector<16x1xi32> to vector<16x800xi32>
    %eq3A_224 = arith.cmpi eq, %eq3A_222, %eq3A_223 : vector<16x800xi32>
    %convert_element_type3A_225 = arith.extui %eq3A_224 : vector<16x800xi1> to vector<16x800xi32>
    %convert_element_type3A_226 = arith.sitofp %convert_element_type3A_225 : vector<16x800xi32> to vector<16x800xf32>
    %mul3A_227 = vector.broadcast %div3A_221 : vector<1x800xf32> to vector<16x800xf32>
    %mul3A_228 = arith.mulf %convert_element_type3A_226, %mul3A_227 : vector<16x800xf32>
    %dot_general3A_229 = arith.constant dense<0.000000e+00> : vector<16x64xf32>
    %dot_general3A_230 = tpu.matmul %mul3A_228, %max3A_207, %dot_general3A_229 {dimension_numbers = #tpu.dot_dimension_numbers<[1], [1], [0], [0], [0, 0, 1, 0], [], []>, transpose_lhs_hint = false} : vector<16x800xf32>, vector<64x800xf32>, vector<16x64xf32> -> vector<16x64xf32>
    %add3A_231 = arith.addf %add3A_181, %dot_general3A_230 : vector<16x64xf32>
    %slice3A_232 = vector.extract_strided_slice %transpose3A {offsets = [64, 0], sizes = [16, 800], strides = [1, 1]} : vector<128x800xf32> to vector<16x800xf32>
    %slice3A_233 = vector.extract_strided_slice %transpose3A_5 {offsets = [64, 0], sizes = [16, 800], strides = [1, 1]} : vector<128x800xf32> to vector<16x800xf32>
    %slice3A_234 = vector.extract_strided_slice %transpose3A_9 {offsets = [64, 0], sizes = [16, 800], strides = [1, 1]} : vector<128x800xf32> to vector<16x800xf32>
    %concatenate3A_235 = tpu.concatenate %slice3A_232, %slice3A_233, %slice3A_234 in 0 : vector<16x800xf32>, vector<16x800xf32>, vector<16x800xf32> -> vector<48x800xf32>
    %convert_element_type3A_236 = arith.truncf %concatenate3A_235 : vector<48x800xf32> to vector<48x800xbf16>
    %dot_general3A_237 = arith.constant dense<0.000000e+00> : vector<128x800xf32>
    %dot_general3A_238 = tpu.matmul %convert_element_type3A, %convert_element_type3A_236, %dot_general3A_237 {dimension_numbers = #tpu.dot_dimension_numbers<[1], [0], [0], [1], [0, 0, 1, 1], [], []>, transpose_lhs_hint = false} : vector<128x48xbf16>, vector<48x800xbf16>, vector<128x800xf32> -> vector<128x800xf32>
    %slice3A_239 = vector.extract_strided_slice %dot_general3A_238 {offsets = [0, 0], sizes = [64, 800], strides = [1, 1]} : vector<128x800xf32> to vector<64x800xf32>
    %get3A_240 = arith.constant 0 : index
    %get3A_241 = arith.constant 0 : index
    %get3A_242 = vector.load %arg6[%get3A_240, %get3A_241] : memref<64x1xf32, #tpu.memory_space<vmem>>, vector<64x1xf32>
    %add3A_243 = vector.broadcast %get3A_242 : vector<64x1xf32> to vector<64x800xf32>
    %add3A_244 = arith.addf %slice3A_239, %add3A_243 : vector<64x800xf32>
    %max3A_245 = arith.constant 0.000000e+00 : f32
    %max3A_246 = vector.broadcast %max3A_245 : f32 to vector<64x800xf32>
    %max3A_247 = arith.maximumf %add3A_244, %max3A_246 : vector<64x800xf32>
    %slice3A_248 = vector.extract_strided_slice %dot_general3A_238 {offsets = [64, 0], sizes = [64, 800], strides = [1, 1]} : vector<128x800xf32> to vector<64x800xf32>
    %convert_element_type3A_249 = arith.truncf %max3A_247 : vector<64x800xf32> to vector<64x800xbf16>
    %dot_general3A_250 = arith.constant dense<0.000000e+00> : vector<64x800xf32>
    %dot_general3A_251 = tpu.matmul %convert_element_type3A_33, %convert_element_type3A_249, %dot_general3A_250 {dimension_numbers = #tpu.dot_dimension_numbers<[1], [0], [0], [1], [0, 0, 1, 1], [], []>, transpose_lhs_hint = false} : vector<64x64xbf16>, vector<64x800xbf16>, vector<64x800xf32> -> vector<64x800xf32>
    %add3A_252 = arith.addf %slice3A_248, %dot_general3A_251 : vector<64x800xf32>
    %add3A_253 = vector.broadcast %add3A : vector<64x1xf32> to vector<64x800xf32>
    %add3A_254 = arith.addf %add3A_252, %add3A_253 : vector<64x800xf32>
    %max3A_255 = arith.constant 0.000000e+00 : f32
    %max3A_256 = vector.broadcast %max3A_255 : f32 to vector<64x800xf32>
    %max3A_257 = arith.maximumf %add3A_254, %max3A_256 : vector<64x800xf32>
    %slice3A_258 = vector.extract_strided_slice %get3A_38 {offsets = [0, 3200], sizes = [1, 800], strides = [1, 1]} : vector<1x6400xi32> to vector<1x800xi32>
    %shift_right_arithmetic3A_259 = arith.constant 26 : i32
    %shift_right_arithmetic3A_260 = vector.broadcast %shift_right_arithmetic3A_259 : i32 to vector<1x800xi32>
    %shift_right_arithmetic3A_261 = arith.shrsi %slice3A_258, %shift_right_arithmetic3A_260 : vector<1x800xi32>
    %and3A_262 = arith.constant 67108863 : i32
    %and3A_263 = vector.broadcast %and3A_262 : i32 to vector<1x800xi32>
    %and3A_264 = arith.andi %slice3A_258, %and3A_263 : vector<1x800xi32>
    %convert_element_type3A_265 = arith.sitofp %and3A_264 : vector<1x800xi32> to vector<1x800xf32>
    %max3A_266 = arith.constant 1.000000e+00 : f32
    %max3A_267 = vector.broadcast %max3A_266 : f32 to vector<1x800xf32>
    %max3A_268 = arith.maximumf %convert_element_type3A_265, %max3A_267 : vector<1x800xf32>
    %div3A_269 = arith.constant 1.000000e+00 : f32
    %div3A_270 = vector.broadcast %div3A_269 : f32 to vector<1x800xf32>
    %div3A_271 = arith.divf %div3A_270, %max3A_268 : vector<1x800xf32>
    %eq3A_272 = vector.broadcast %shift_right_arithmetic3A_261 : vector<1x800xi32> to vector<16x800xi32>
    %eq3A_273 = vector.broadcast %iota3A : vector<16x1xi32> to vector<16x800xi32>
    %eq3A_274 = arith.cmpi eq, %eq3A_272, %eq3A_273 : vector<16x800xi32>
    %convert_element_type3A_275 = arith.extui %eq3A_274 : vector<16x800xi1> to vector<16x800xi32>
    %convert_element_type3A_276 = arith.sitofp %convert_element_type3A_275 : vector<16x800xi32> to vector<16x800xf32>
    %mul3A_277 = vector.broadcast %div3A_271 : vector<1x800xf32> to vector<16x800xf32>
    %mul3A_278 = arith.mulf %convert_element_type3A_276, %mul3A_277 : vector<16x800xf32>
    %dot_general3A_279 = arith.constant dense<0.000000e+00> : vector<16x64xf32>
    %dot_general3A_280 = tpu.matmul %mul3A_278, %max3A_257, %dot_general3A_279 {dimension_numbers = #tpu.dot_dimension_numbers<[1], [1], [0], [0], [0, 0, 1, 0], [], []>, transpose_lhs_hint = false} : vector<16x800xf32>, vector<64x800xf32>, vector<16x64xf32> -> vector<16x64xf32>
    %add3A_281 = arith.addf %add3A_231, %dot_general3A_280 : vector<16x64xf32>
    %slice3A_282 = vector.extract_strided_slice %transpose3A {offsets = [80, 0], sizes = [16, 800], strides = [1, 1]} : vector<128x800xf32> to vector<16x800xf32>
    %slice3A_283 = vector.extract_strided_slice %transpose3A_5 {offsets = [80, 0], sizes = [16, 800], strides = [1, 1]} : vector<128x800xf32> to vector<16x800xf32>
    %slice3A_284 = vector.extract_strided_slice %transpose3A_9 {offsets = [80, 0], sizes = [16, 800], strides = [1, 1]} : vector<128x800xf32> to vector<16x800xf32>
    %concatenate3A_285 = tpu.concatenate %slice3A_282, %slice3A_283, %slice3A_284 in 0 : vector<16x800xf32>, vector<16x800xf32>, vector<16x800xf32> -> vector<48x800xf32>
    %convert_element_type3A_286 = arith.truncf %concatenate3A_285 : vector<48x800xf32> to vector<48x800xbf16>
    %dot_general3A_287 = arith.constant dense<0.000000e+00> : vector<128x800xf32>
    %dot_general3A_288 = tpu.matmul %convert_element_type3A, %convert_element_type3A_286, %dot_general3A_287 {dimension_numbers = #tpu.dot_dimension_numbers<[1], [0], [0], [1], [0, 0, 1, 1], [], []>, transpose_lhs_hint = false} : vector<128x48xbf16>, vector<48x800xbf16>, vector<128x800xf32> -> vector<128x800xf32>
    %slice3A_289 = vector.extract_strided_slice %dot_general3A_288 {offsets = [0, 0], sizes = [64, 800], strides = [1, 1]} : vector<128x800xf32> to vector<64x800xf32>
    %get3A_290 = arith.constant 0 : index
    %get3A_291 = arith.constant 0 : index
    %get3A_292 = vector.load %arg6[%get3A_290, %get3A_291] : memref<64x1xf32, #tpu.memory_space<vmem>>, vector<64x1xf32>
    %add3A_293 = vector.broadcast %get3A_292 : vector<64x1xf32> to vector<64x800xf32>
    %add3A_294 = arith.addf %slice3A_289, %add3A_293 : vector<64x800xf32>
    %max3A_295 = arith.constant 0.000000e+00 : f32
    %max3A_296 = vector.broadcast %max3A_295 : f32 to vector<64x800xf32>
    %max3A_297 = arith.maximumf %add3A_294, %max3A_296 : vector<64x800xf32>
    %slice3A_298 = vector.extract_strided_slice %dot_general3A_288 {offsets = [64, 0], sizes = [64, 800], strides = [1, 1]} : vector<128x800xf32> to vector<64x800xf32>
    %convert_element_type3A_299 = arith.truncf %max3A_297 : vector<64x800xf32> to vector<64x800xbf16>
    %dot_general3A_300 = arith.constant dense<0.000000e+00> : vector<64x800xf32>
    %dot_general3A_301 = tpu.matmul %convert_element_type3A_33, %convert_element_type3A_299, %dot_general3A_300 {dimension_numbers = #tpu.dot_dimension_numbers<[1], [0], [0], [1], [0, 0, 1, 1], [], []>, transpose_lhs_hint = false} : vector<64x64xbf16>, vector<64x800xbf16>, vector<64x800xf32> -> vector<64x800xf32>
    %add3A_302 = arith.addf %slice3A_298, %dot_general3A_301 : vector<64x800xf32>
    %add3A_303 = vector.broadcast %add3A : vector<64x1xf32> to vector<64x800xf32>
    %add3A_304 = arith.addf %add3A_302, %add3A_303 : vector<64x800xf32>
    %max3A_305 = arith.constant 0.000000e+00 : f32
    %max3A_306 = vector.broadcast %max3A_305 : f32 to vector<64x800xf32>
    %max3A_307 = arith.maximumf %add3A_304, %max3A_306 : vector<64x800xf32>
    %slice3A_308 = vector.extract_strided_slice %get3A_38 {offsets = [0, 4000], sizes = [1, 800], strides = [1, 1]} : vector<1x6400xi32> to vector<1x800xi32>
    %shift_right_arithmetic3A_309 = arith.constant 26 : i32
    %shift_right_arithmetic3A_310 = vector.broadcast %shift_right_arithmetic3A_309 : i32 to vector<1x800xi32>
    %shift_right_arithmetic3A_311 = arith.shrsi %slice3A_308, %shift_right_arithmetic3A_310 : vector<1x800xi32>
    %and3A_312 = arith.constant 67108863 : i32
    %and3A_313 = vector.broadcast %and3A_312 : i32 to vector<1x800xi32>
    %and3A_314 = arith.andi %slice3A_308, %and3A_313 : vector<1x800xi32>
    %convert_element_type3A_315 = arith.sitofp %and3A_314 : vector<1x800xi32> to vector<1x800xf32>
    %max3A_316 = arith.constant 1.000000e+00 : f32
    %max3A_317 = vector.broadcast %max3A_316 : f32 to vector<1x800xf32>
    %max3A_318 = arith.maximumf %convert_element_type3A_315, %max3A_317 : vector<1x800xf32>
    %div3A_319 = arith.constant 1.000000e+00 : f32
    %div3A_320 = vector.broadcast %div3A_319 : f32 to vector<1x800xf32>
    %div3A_321 = arith.divf %div3A_320, %max3A_318 : vector<1x800xf32>
    %eq3A_322 = vector.broadcast %shift_right_arithmetic3A_311 : vector<1x800xi32> to vector<16x800xi32>
    %eq3A_323 = vector.broadcast %iota3A : vector<16x1xi32> to vector<16x800xi32>
    %eq3A_324 = arith.cmpi eq, %eq3A_322, %eq3A_323 : vector<16x800xi32>
    %convert_element_type3A_325 = arith.extui %eq3A_324 : vector<16x800xi1> to vector<16x800xi32>
    %convert_element_type3A_326 = arith.sitofp %convert_element_type3A_325 : vector<16x800xi32> to vector<16x800xf32>
    %mul3A_327 = vector.broadcast %div3A_321 : vector<1x800xf32> to vector<16x800xf32>
    %mul3A_328 = arith.mulf %convert_element_type3A_326, %mul3A_327 : vector<16x800xf32>
    %dot_general3A_329 = arith.constant dense<0.000000e+00> : vector<16x64xf32>
    %dot_general3A_330 = tpu.matmul %mul3A_328, %max3A_307, %dot_general3A_329 {dimension_numbers = #tpu.dot_dimension_numbers<[1], [1], [0], [0], [0, 0, 1, 0], [], []>, transpose_lhs_hint = false} : vector<16x800xf32>, vector<64x800xf32>, vector<16x64xf32> -> vector<16x64xf32>
    %add3A_331 = arith.addf %add3A_281, %dot_general3A_330 : vector<16x64xf32>
    %slice3A_332 = vector.extract_strided_slice %transpose3A {offsets = [96, 0], sizes = [16, 800], strides = [1, 1]} : vector<128x800xf32> to vector<16x800xf32>
    %slice3A_333 = vector.extract_strided_slice %transpose3A_5 {offsets = [96, 0], sizes = [16, 800], strides = [1, 1]} : vector<128x800xf32> to vector<16x800xf32>
    %slice3A_334 = vector.extract_strided_slice %transpose3A_9 {offsets = [96, 0], sizes = [16, 800], strides = [1, 1]} : vector<128x800xf32> to vector<16x800xf32>
    %concatenate3A_335 = tpu.concatenate %slice3A_332, %slice3A_333, %slice3A_334 in 0 : vector<16x800xf32>, vector<16x800xf32>, vector<16x800xf32> -> vector<48x800xf32>
    %convert_element_type3A_336 = arith.truncf %concatenate3A_335 : vector<48x800xf32> to vector<48x800xbf16>
    %dot_general3A_337 = arith.constant dense<0.000000e+00> : vector<128x800xf32>
    %dot_general3A_338 = tpu.matmul %convert_element_type3A, %convert_element_type3A_336, %dot_general3A_337 {dimension_numbers = #tpu.dot_dimension_numbers<[1], [0], [0], [1], [0, 0, 1, 1], [], []>, transpose_lhs_hint = false} : vector<128x48xbf16>, vector<48x800xbf16>, vector<128x800xf32> -> vector<128x800xf32>
    %slice3A_339 = vector.extract_strided_slice %dot_general3A_338 {offsets = [0, 0], sizes = [64, 800], strides = [1, 1]} : vector<128x800xf32> to vector<64x800xf32>
    %get3A_340 = arith.constant 0 : index
    %get3A_341 = arith.constant 0 : index
    %get3A_342 = vector.load %arg6[%get3A_340, %get3A_341] : memref<64x1xf32, #tpu.memory_space<vmem>>, vector<64x1xf32>
    %add3A_343 = vector.broadcast %get3A_342 : vector<64x1xf32> to vector<64x800xf32>
    %add3A_344 = arith.addf %slice3A_339, %add3A_343 : vector<64x800xf32>
    %max3A_345 = arith.constant 0.000000e+00 : f32
    %max3A_346 = vector.broadcast %max3A_345 : f32 to vector<64x800xf32>
    %max3A_347 = arith.maximumf %add3A_344, %max3A_346 : vector<64x800xf32>
    %slice3A_348 = vector.extract_strided_slice %dot_general3A_338 {offsets = [64, 0], sizes = [64, 800], strides = [1, 1]} : vector<128x800xf32> to vector<64x800xf32>
    %convert_element_type3A_349 = arith.truncf %max3A_347 : vector<64x800xf32> to vector<64x800xbf16>
    %dot_general3A_350 = arith.constant dense<0.000000e+00> : vector<64x800xf32>
    %dot_general3A_351 = tpu.matmul %convert_element_type3A_33, %convert_element_type3A_349, %dot_general3A_350 {dimension_numbers = #tpu.dot_dimension_numbers<[1], [0], [0], [1], [0, 0, 1, 1], [], []>, transpose_lhs_hint = false} : vector<64x64xbf16>, vector<64x800xbf16>, vector<64x800xf32> -> vector<64x800xf32>
    %add3A_352 = arith.addf %slice3A_348, %dot_general3A_351 : vector<64x800xf32>
    %add3A_353 = vector.broadcast %add3A : vector<64x1xf32> to vector<64x800xf32>
    %add3A_354 = arith.addf %add3A_352, %add3A_353 : vector<64x800xf32>
    %max3A_355 = arith.constant 0.000000e+00 : f32
    %max3A_356 = vector.broadcast %max3A_355 : f32 to vector<64x800xf32>
    %max3A_357 = arith.maximumf %add3A_354, %max3A_356 : vector<64x800xf32>
    %slice3A_358 = vector.extract_strided_slice %get3A_38 {offsets = [0, 4800], sizes = [1, 800], strides = [1, 1]} : vector<1x6400xi32> to vector<1x800xi32>
    %shift_right_arithmetic3A_359 = arith.constant 26 : i32
    %shift_right_arithmetic3A_360 = vector.broadcast %shift_right_arithmetic3A_359 : i32 to vector<1x800xi32>
    %shift_right_arithmetic3A_361 = arith.shrsi %slice3A_358, %shift_right_arithmetic3A_360 : vector<1x800xi32>
    %and3A_362 = arith.constant 67108863 : i32
    %and3A_363 = vector.broadcast %and3A_362 : i32 to vector<1x800xi32>
    %and3A_364 = arith.andi %slice3A_358, %and3A_363 : vector<1x800xi32>
    %convert_element_type3A_365 = arith.sitofp %and3A_364 : vector<1x800xi32> to vector<1x800xf32>
    %max3A_366 = arith.constant 1.000000e+00 : f32
    %max3A_367 = vector.broadcast %max3A_366 : f32 to vector<1x800xf32>
    %max3A_368 = arith.maximumf %convert_element_type3A_365, %max3A_367 : vector<1x800xf32>
    %div3A_369 = arith.constant 1.000000e+00 : f32
    %div3A_370 = vector.broadcast %div3A_369 : f32 to vector<1x800xf32>
    %div3A_371 = arith.divf %div3A_370, %max3A_368 : vector<1x800xf32>
    %eq3A_372 = vector.broadcast %shift_right_arithmetic3A_361 : vector<1x800xi32> to vector<16x800xi32>
    %eq3A_373 = vector.broadcast %iota3A : vector<16x1xi32> to vector<16x800xi32>
    %eq3A_374 = arith.cmpi eq, %eq3A_372, %eq3A_373 : vector<16x800xi32>
    %convert_element_type3A_375 = arith.extui %eq3A_374 : vector<16x800xi1> to vector<16x800xi32>
    %convert_element_type3A_376 = arith.sitofp %convert_element_type3A_375 : vector<16x800xi32> to vector<16x800xf32>
    %mul3A_377 = vector.broadcast %div3A_371 : vector<1x800xf32> to vector<16x800xf32>
    %mul3A_378 = arith.mulf %convert_element_type3A_376, %mul3A_377 : vector<16x800xf32>
    %dot_general3A_379 = arith.constant dense<0.000000e+00> : vector<16x64xf32>
    %dot_general3A_380 = tpu.matmul %mul3A_378, %max3A_357, %dot_general3A_379 {dimension_numbers = #tpu.dot_dimension_numbers<[1], [1], [0], [0], [0, 0, 1, 0], [], []>, transpose_lhs_hint = false} : vector<16x800xf32>, vector<64x800xf32>, vector<16x64xf32> -> vector<16x64xf32>
    %add3A_381 = arith.addf %add3A_331, %dot_general3A_380 : vector<16x64xf32>
    %slice3A_382 = vector.extract_strided_slice %transpose3A {offsets = [112, 0], sizes = [16, 800], strides = [1, 1]} : vector<128x800xf32> to vector<16x800xf32>
    %slice3A_383 = vector.extract_strided_slice %transpose3A_5 {offsets = [112, 0], sizes = [16, 800], strides = [1, 1]} : vector<128x800xf32> to vector<16x800xf32>
    %slice3A_384 = vector.extract_strided_slice %transpose3A_9 {offsets = [112, 0], sizes = [16, 800], strides = [1, 1]} : vector<128x800xf32> to vector<16x800xf32>
    %concatenate3A_385 = tpu.concatenate %slice3A_382, %slice3A_383, %slice3A_384 in 0 : vector<16x800xf32>, vector<16x800xf32>, vector<16x800xf32> -> vector<48x800xf32>
    %convert_element_type3A_386 = arith.truncf %concatenate3A_385 : vector<48x800xf32> to vector<48x800xbf16>
    %dot_general3A_387 = arith.constant dense<0.000000e+00> : vector<128x800xf32>
    %dot_general3A_388 = tpu.matmul %convert_element_type3A, %convert_element_type3A_386, %dot_general3A_387 {dimension_numbers = #tpu.dot_dimension_numbers<[1], [0], [0], [1], [0, 0, 1, 1], [], []>, transpose_lhs_hint = false} : vector<128x48xbf16>, vector<48x800xbf16>, vector<128x800xf32> -> vector<128x800xf32>
    %slice3A_389 = vector.extract_strided_slice %dot_general3A_388 {offsets = [0, 0], sizes = [64, 800], strides = [1, 1]} : vector<128x800xf32> to vector<64x800xf32>
    %get3A_390 = arith.constant 0 : index
    %get3A_391 = arith.constant 0 : index
    %get3A_392 = vector.load %arg6[%get3A_390, %get3A_391] : memref<64x1xf32, #tpu.memory_space<vmem>>, vector<64x1xf32>
    %add3A_393 = vector.broadcast %get3A_392 : vector<64x1xf32> to vector<64x800xf32>
    %add3A_394 = arith.addf %slice3A_389, %add3A_393 : vector<64x800xf32>
    %max3A_395 = arith.constant 0.000000e+00 : f32
    %max3A_396 = vector.broadcast %max3A_395 : f32 to vector<64x800xf32>
    %max3A_397 = arith.maximumf %add3A_394, %max3A_396 : vector<64x800xf32>
    %slice3A_398 = vector.extract_strided_slice %dot_general3A_388 {offsets = [64, 0], sizes = [64, 800], strides = [1, 1]} : vector<128x800xf32> to vector<64x800xf32>
    %convert_element_type3A_399 = arith.truncf %max3A_397 : vector<64x800xf32> to vector<64x800xbf16>
    %dot_general3A_400 = arith.constant dense<0.000000e+00> : vector<64x800xf32>
    %dot_general3A_401 = tpu.matmul %convert_element_type3A_33, %convert_element_type3A_399, %dot_general3A_400 {dimension_numbers = #tpu.dot_dimension_numbers<[1], [0], [0], [1], [0, 0, 1, 1], [], []>, transpose_lhs_hint = false} : vector<64x64xbf16>, vector<64x800xbf16>, vector<64x800xf32> -> vector<64x800xf32>
    %add3A_402 = arith.addf %slice3A_398, %dot_general3A_401 : vector<64x800xf32>
    %add3A_403 = vector.broadcast %add3A : vector<64x1xf32> to vector<64x800xf32>
    %add3A_404 = arith.addf %add3A_402, %add3A_403 : vector<64x800xf32>
    %max3A_405 = arith.constant 0.000000e+00 : f32
    %max3A_406 = vector.broadcast %max3A_405 : f32 to vector<64x800xf32>
    %max3A_407 = arith.maximumf %add3A_404, %max3A_406 : vector<64x800xf32>
    %slice3A_408 = vector.extract_strided_slice %get3A_38 {offsets = [0, 5600], sizes = [1, 800], strides = [1, 1]} : vector<1x6400xi32> to vector<1x800xi32>
    %shift_right_arithmetic3A_409 = arith.constant 26 : i32
    %shift_right_arithmetic3A_410 = vector.broadcast %shift_right_arithmetic3A_409 : i32 to vector<1x800xi32>
    %shift_right_arithmetic3A_411 = arith.shrsi %slice3A_408, %shift_right_arithmetic3A_410 : vector<1x800xi32>
    %and3A_412 = arith.constant 67108863 : i32
    %and3A_413 = vector.broadcast %and3A_412 : i32 to vector<1x800xi32>
    %and3A_414 = arith.andi %slice3A_408, %and3A_413 : vector<1x800xi32>
    %convert_element_type3A_415 = arith.sitofp %and3A_414 : vector<1x800xi32> to vector<1x800xf32>
    %max3A_416 = arith.constant 1.000000e+00 : f32
    %max3A_417 = vector.broadcast %max3A_416 : f32 to vector<1x800xf32>
    %max3A_418 = arith.maximumf %convert_element_type3A_415, %max3A_417 : vector<1x800xf32>
    %div3A_419 = arith.constant 1.000000e+00 : f32
    %div3A_420 = vector.broadcast %div3A_419 : f32 to vector<1x800xf32>
    %div3A_421 = arith.divf %div3A_420, %max3A_418 : vector<1x800xf32>
    %eq3A_422 = vector.broadcast %shift_right_arithmetic3A_411 : vector<1x800xi32> to vector<16x800xi32>
    %eq3A_423 = vector.broadcast %iota3A : vector<16x1xi32> to vector<16x800xi32>
    %eq3A_424 = arith.cmpi eq, %eq3A_422, %eq3A_423 : vector<16x800xi32>
    %convert_element_type3A_425 = arith.extui %eq3A_424 : vector<16x800xi1> to vector<16x800xi32>
    %convert_element_type3A_426 = arith.sitofp %convert_element_type3A_425 : vector<16x800xi32> to vector<16x800xf32>
    %mul3A_427 = vector.broadcast %div3A_421 : vector<1x800xf32> to vector<16x800xf32>
    %mul3A_428 = arith.mulf %convert_element_type3A_426, %mul3A_427 : vector<16x800xf32>
    %dot_general3A_429 = arith.constant dense<0.000000e+00> : vector<16x64xf32>
    %dot_general3A_430 = tpu.matmul %mul3A_428, %max3A_407, %dot_general3A_429 {dimension_numbers = #tpu.dot_dimension_numbers<[1], [1], [0], [0], [0, 0, 1, 0], [], []>, transpose_lhs_hint = false} : vector<16x800xf32>, vector<64x800xf32>, vector<16x64xf32> -> vector<16x64xf32>
    %add3A_431 = arith.addf %add3A_381, %dot_general3A_430 : vector<16x64xf32>
    %eq3A_432 = arith.constant 0 : i32
    %eq3A_433 = arith.cmpi eq, %arg0, %eq3A_432 : i32
    %convert_element_type3A_434 = arith.extui %eq3A_433 : i1 to i32
    %cond3A = arith.constant 0 : i32
    %cond3A_435 = arith.cmpi ne, %convert_element_type3A_434, %cond3A : i32
    scf.if %cond3A_435 {
      %swap3A = arith.constant 0 : index
      %swap3A_440 = arith.constant 0 : index
      %swap3A_441 = vector.load %arg11[%swap3A, %swap3A_440] : memref<16x64xf32, #tpu.memory_space<vmem>>, vector<16x64xf32>
      tpu.vector_store %arg11[%swap3A, %swap3A_440], %add3A_431 {strides = array<i32>} : memref<16x64xf32, #tpu.memory_space<vmem>>, vector<16x64xf32>,
    } else {
    }
    %gt3A = arith.constant 0 : i32
    %gt3A_436 = arith.cmpi sgt, %arg0, %gt3A : i32
    %convert_element_type3A_437 = arith.extui %gt3A_436 : i1 to i32
    %cond3A_438 = arith.constant 0 : i32
    %cond3A_439 = arith.cmpi ne, %convert_element_type3A_437, %cond3A_438 : i32
    scf.if %cond3A_439 {
      %get3A_440 = arith.constant 0 : index
      %get3A_441 = arith.constant 0 : index
      %get3A_442 = vector.load %arg11[%get3A_440, %get3A_441] : memref<16x64xf32, #tpu.memory_space<vmem>>, vector<16x64xf32>
      %add3A_443 = arith.addf %get3A_442, %add3A_431 : vector<16x64xf32>
      %swap3A = arith.constant 0 : index
      %swap3A_444 = arith.constant 0 : index
      %swap3A_445 = vector.load %arg11[%swap3A, %swap3A_444] : memref<16x64xf32, #tpu.memory_space<vmem>>, vector<16x64xf32>
      tpu.vector_store %arg11[%swap3A, %swap3A_444], %add3A_443 {strides = array<i32>} : memref<16x64xf32, #tpu.memory_space<vmem>>, vector<16x64xf32>,
    } else {
    }
    return
  }
  func.func @transform_0(%arg0: i32) -> (i32, i32) {
    %c0_i32 = arith.constant 0 : i32
    %c0_i32_0 = arith.constant 0 : i32
    return %arg0, %c0_i32 : i32, i32
  }
  func.func @transform_1(%arg0: i32) -> (i32, i32) {
    %c0_i32 = arith.constant 0 : i32
    %c0_i32_0 = arith.constant 0 : i32
    return %arg0, %c0_i32 : i32, i32
  }
  func.func @transform_2(%arg0: i32) -> (i32, i32) {
    %c0_i32 = arith.constant 0 : i32
    %c0_i32_0 = arith.constant 0 : i32
    return %arg0, %c0_i32 : i32, i32
  }
  func.func @transform_3(%arg0: i32) -> (i32, i32, i32) {
    %c0_i32 = arith.constant 0 : i32
    %c0_i32_0 = arith.constant 0 : i32
    %c0_i32_1 = arith.constant 0 : i32
    return %arg0, %c0_i32, %c0_i32_0 : i32, i32, i32
  }
  func.func @transform_4(%arg0: i32) -> (i32, i32) {
    %c0_i32 = arith.constant 0 : i32
    %c0_i32_0 = arith.constant 0 : i32
    %c0_i32_1 = arith.constant 0 : i32
    return %c0_i32, %c0_i32_0 : i32, i32
  }
  func.func @transform_5(%arg0: i32) -> (i32, i32) {
    %c0_i32 = arith.constant 0 : i32
    %c0_i32_0 = arith.constant 0 : i32
    %c0_i32_1 = arith.constant 0 : i32
    return %c0_i32, %c0_i32_0 : i32, i32
  }
  func.func @transform_6(%arg0: i32) -> (i32, i32) {
    %c0_i32 = arith.constant 0 : i32
    %c0_i32_0 = arith.constant 0 : i32
    %c0_i32_1 = arith.constant 0 : i32
    return %c0_i32, %c0_i32_0 : i32, i32
  }
  func.func @transform_7(%arg0: i32) -> (i32, i32) {
    %c0_i32 = arith.constant 0 : i32
    %c0_i32_0 = arith.constant 0 : i32
    %c0_i32_1 = arith.constant 0 : i32
    return %c0_i32, %c0_i32_0 : i32, i32
  }
  func.func @transform_8(%arg0: i32) -> (i32, i32) {
    %c0_i32 = arith.constant 0 : i32
    %c0_i32_0 = arith.constant 0 : i32
    %c0_i32_1 = arith.constant 0 : i32
    return %c0_i32, %c0_i32_0 : i32, i32
  }
  func.func @transform_9(%arg0: i32) -> (i32, i32) {
    %c0_i32 = arith.constant 0 : i32
    %c0_i32_0 = arith.constant 0 : i32
    %c0_i32_1 = arith.constant 0 : i32
    return %c0_i32, %c0_i32_0 : i32, i32
  }
  func.func @transform_10(%arg0: i32) -> (i32, i32) {
    %c0_i32 = arith.constant 0 : i32
    %c0_i32_0 = arith.constant 0 : i32
    %c0_i32_1 = arith.constant 0 : i32
    return %c0_i32, %c0_i32_0 : i32, i32
  }
}

module attributes {stable_mosaic.version = 14 : i64} {
  func.func @_head_body(%arg0: memref<16x64xf32, #tpu.memory_space<vmem>>, %arg1: memref<16x2xf32, #tpu.memory_space<vmem>>, %arg2: memref<64x80xf32, #tpu.memory_space<vmem>>, %arg3: memref<1x80xf32, #tpu.memory_space<vmem>>, %arg4: memref<80x32xf32, #tpu.memory_space<vmem>>, %arg5: memref<1x32xf32, #tpu.memory_space<vmem>>, %arg6: memref<1x32xf32, #tpu.memory_space<vmem>>, %arg7: memref<1x32xf32, #tpu.memory_space<vmem>>, %arg8: memref<32x6xf32, #tpu.memory_space<vmem>>, %arg9: memref<1x6xf32, #tpu.memory_space<vmem>>, %arg10: memref<16x6xf32, #tpu.memory_space<vmem>>) attributes {dimension_semantics = [], scalar_prefetch = 0 : i64, scratch_operands = 0 : i64, tpu.core_type = #tpu.core_type<tc>} {
    %get3A = arith.constant 0 : index
    %get3A_0 = arith.constant 0 : index
    %get3A_1 = vector.load %arg1[%get3A, %get3A_0] : memref<16x2xf32, #tpu.memory_space<vmem>>, vector<16x2xf32>
    %slice3A = vector.extract_strided_slice %get3A_1 {offsets = [0, 0], sizes = [16, 1], strides = [1, 1]} : vector<16x2xf32> to vector<16x1xf32>
    %max3A = arith.constant 1.000000e+00 : f32
    %max3A_2 = vector.broadcast %max3A : f32 to vector<16x1xf32>
    %max3A_3 = arith.maximumf %slice3A, %max3A_2 : vector<16x1xf32>
    %slice3A_4 = vector.extract_strided_slice %get3A_1 {offsets = [0, 1], sizes = [16, 1], strides = [1, 1]} : vector<16x2xf32> to vector<16x1xf32>
    %get3A_5 = arith.constant 0 : index
    %get3A_6 = arith.constant 0 : index
    %get3A_7 = vector.load %arg0[%get3A_5, %get3A_6] : memref<16x64xf32, #tpu.memory_space<vmem>>, vector<16x64xf32>
    %get3A_8 = arith.constant 0 : index
    %get3A_9 = arith.constant 0 : index
    %get3A_10 = vector.load %arg2[%get3A_8, %get3A_9] : memref<64x80xf32, #tpu.memory_space<vmem>>, vector<64x80xf32>
    %dot_general3A = arith.constant dense<0.000000e+00> : vector<16x80xf32>
    %dot_general3A_11 = tpu.matmul %get3A_7, %get3A_10, %dot_general3A {dimension_numbers = #tpu.dot_dimension_numbers<[1], [0], [0], [1], [0, 0, 1, 1], [], []>, transpose_lhs_hint = false} : vector<16x64xf32>, vector<64x80xf32>, vector<16x80xf32> -> vector<16x80xf32>
    %get3A_12 = arith.constant 0 : index
    %get3A_13 = arith.constant 0 : index
    %get3A_14 = vector.load %arg3[%get3A_12, %get3A_13] : memref<1x80xf32, #tpu.memory_space<vmem>>, vector<1x80xf32>
    %mul3A = vector.broadcast %slice3A_4 : vector<16x1xf32> to vector<16x80xf32>
    %mul3A_15 = vector.broadcast %get3A_14 : vector<1x80xf32> to vector<16x80xf32>
    %mul3A_16 = arith.mulf %mul3A, %mul3A_15 : vector<16x80xf32>
    %add3A = arith.addf %dot_general3A_11, %mul3A_16 : vector<16x80xf32>
    %div3A = vector.broadcast %max3A_3 : vector<16x1xf32> to vector<16x80xf32>
    %div3A_17 = arith.divf %add3A, %div3A : vector<16x80xf32>
    %get3A_18 = arith.constant 0 : index
    %get3A_19 = arith.constant 0 : index
    %get3A_20 = vector.load %arg4[%get3A_18, %get3A_19] : memref<80x32xf32, #tpu.memory_space<vmem>>, vector<80x32xf32>
    %dot_general3A_21 = arith.constant dense<0.000000e+00> : vector<16x32xf32>
    %dot_general3A_22 = tpu.matmul %div3A_17, %get3A_20, %dot_general3A_21 {dimension_numbers = #tpu.dot_dimension_numbers<[1], [0], [0], [1], [0, 0, 1, 1], [], []>, transpose_lhs_hint = false} : vector<16x80xf32>, vector<80x32xf32>, vector<16x32xf32> -> vector<16x32xf32>
    %get3A_23 = arith.constant 0 : index
    %get3A_24 = arith.constant 0 : index
    %get3A_25 = vector.load %arg5[%get3A_23, %get3A_24] : memref<1x32xf32, #tpu.memory_space<vmem>>, vector<1x32xf32>
    %add3A_26 = vector.broadcast %get3A_25 : vector<1x32xf32> to vector<16x32xf32>
    %add3A_27 = arith.addf %dot_general3A_22, %add3A_26 : vector<16x32xf32>
    %get3A_28 = arith.constant 0 : index
    %get3A_29 = arith.constant 0 : index
    %get3A_30 = vector.load %arg6[%get3A_28, %get3A_29] : memref<1x32xf32, #tpu.memory_space<vmem>>, vector<1x32xf32>
    %sqrt3A = arith.constant 1.000010e+00 : f32
    %sqrt3A_31 = math.sqrt %sqrt3A : f32
    %div3A_32 = vector.broadcast %sqrt3A_31 : f32 to vector<1x32xf32>
    %div3A_33 = arith.divf %get3A_30, %div3A_32 : vector<1x32xf32>
    %mul3A_34 = vector.broadcast %div3A_33 : vector<1x32xf32> to vector<16x32xf32>
    %mul3A_35 = arith.mulf %add3A_27, %mul3A_34 : vector<16x32xf32>
    %get3A_36 = arith.constant 0 : index
    %get3A_37 = arith.constant 0 : index
    %get3A_38 = vector.load %arg7[%get3A_36, %get3A_37] : memref<1x32xf32, #tpu.memory_space<vmem>>, vector<1x32xf32>
    %add3A_39 = vector.broadcast %get3A_38 : vector<1x32xf32> to vector<16x32xf32>
    %add3A_40 = arith.addf %mul3A_35, %add3A_39 : vector<16x32xf32>
    %max3A_41 = arith.constant 0.000000e+00 : f32
    %max3A_42 = vector.broadcast %max3A_41 : f32 to vector<16x32xf32>
    %max3A_43 = arith.maximumf %add3A_40, %max3A_42 : vector<16x32xf32>
    %get3A_44 = arith.constant 0 : index
    %get3A_45 = arith.constant 0 : index
    %get3A_46 = vector.load %arg8[%get3A_44, %get3A_45] : memref<32x6xf32, #tpu.memory_space<vmem>>, vector<32x6xf32>
    %dot_general3A_47 = arith.constant dense<0.000000e+00> : vector<16x6xf32>
    %dot_general3A_48 = tpu.matmul %max3A_43, %get3A_46, %dot_general3A_47 {dimension_numbers = #tpu.dot_dimension_numbers<[1], [0], [0], [1], [0, 0, 1, 1], [], []>, transpose_lhs_hint = false} : vector<16x32xf32>, vector<32x6xf32>, vector<16x6xf32> -> vector<16x6xf32>
    %get3A_49 = arith.constant 0 : index
    %get3A_50 = arith.constant 0 : index
    %get3A_51 = vector.load %arg9[%get3A_49, %get3A_50] : memref<1x6xf32, #tpu.memory_space<vmem>>, vector<1x6xf32>
    %add3A_52 = vector.broadcast %get3A_51 : vector<1x6xf32> to vector<16x6xf32>
    %add3A_53 = arith.addf %dot_general3A_48, %add3A_52 : vector<16x6xf32>
    %reduce_max3A = arith.constant dense<0xFF800000> : vector<16xf32>
    %reduce_max3A_54 = vector.multi_reduction <maximumf>, %add3A_53, %reduce_max3A [1] : vector<16x6xf32> to vector<16xf32>
    %broadcast_in_dim3A = vector.shape_cast %reduce_max3A_54 : vector<16xf32> to vector<16x1xf32>
    %sub3A = vector.broadcast %broadcast_in_dim3A : vector<16x1xf32> to vector<16x6xf32>
    %sub3A_55 = arith.subf %add3A_53, %sub3A : vector<16x6xf32>
    %exp3A = math.exp %sub3A_55 : vector<16x6xf32>
    %reduce_sum3A = arith.constant dense<0.000000e+00> : vector<16xf32>
    %reduce_sum3A_56 = vector.multi_reduction <add>, %exp3A, %reduce_sum3A [1] : vector<16x6xf32> to vector<16xf32>
    %broadcast_in_dim3A_57 = vector.shape_cast %reduce_sum3A_56 : vector<16xf32> to vector<16x1xf32>
    %log3A = math.log %broadcast_in_dim3A_57 : vector<16x1xf32>
    %sub3A_58 = vector.broadcast %log3A : vector<16x1xf32> to vector<16x6xf32>
    %sub3A_59 = arith.subf %sub3A_55, %sub3A_58 : vector<16x6xf32>
    %swap3A = arith.constant 0 : index
    %swap3A_60 = arith.constant 0 : index
    %swap3A_61 = vector.load %arg10[%swap3A, %swap3A_60] : memref<16x6xf32, #tpu.memory_space<vmem>>, vector<16x6xf32>
    tpu.vector_store %arg10[%swap3A, %swap3A_60], %sub3A_59 {strides = array<i32>} : memref<16x6xf32, #tpu.memory_space<vmem>>, vector<16x6xf32>,
    return
  }
}

</mosaic_0001>

<sc_bundles>
// kernel: kernel.11.cloned.1.call-start
scs
__scs_entry_jumppad:
0x0: {  	(pc) =	sbr.rel $0x88, $3  }
0x1: {  	(tag) =	ssettag $0x0;
	lr =	simm.s32 $0x1  }
0x2: {  	[smem:$0x3F8F] =	sst lr;
	_ =	strace $0xD0000000  }
0x3: {  	_ = 	snop  }
0x4: {  	_ = 	snop  }
0x5: {  	_ = 	snop  }
0x6: {  	_ = 	snop  }
0x7: {  	_ = 	snop  }
__scs_overlays_trampoline_lowered:
0x8: {  	[smem:$0x3F9E] =	sst s0  }
0x9: {  	[smem:$0x3F9F] =	sst s1  }
0xa: {  	[smem:$0x3FA0] =	sst s2  }
0xb: {  	[smem:$0x3FA1] =	sst s3  }
0xc: {  	[smem:$0x3FA2] =	sst s4  }
0xd: {  	[smem:$0x3FA3] =	sst s5  }
0xe: {  	[smem:$0x3FA4] =	sst s6  }
0xf: {  	[smem:$0x3FA5] =	sst s7  }
0x10: {  	[smem:$0x3FA6] =	sst s8  }
0x11: {  	[smem:$0x3FA7] =	sst s9;
	s0 =	simm.s32 @!p0 $0x0  }
0x12: {  	s1 =	sld [smem:$0x3F8D];
	s0 =	simm.s32 @p0 $0x1  }
0x13: {  	[smem:$0x3FA8] =	sst s0;
	s0 =	simm.s32 @!p1 $0x0  }
0x14: {  	s2 =	sld [smem:$0x3F8C];
	s0 =	simm.s32 @p1 $0x1  }
0x15: {  	[smem:$0x3FA9] =	sst s0;
	s0 =	simm.s32 @!p2 $0x0  }
0x16: {  	s3 =	sld [smem:$0x3FDB];
	s0 =	simm.s32 @p2 $0x1  }
0x17: {  	s4 =	simm.s32 $0x1BF5;
	[smem:$0x3FAB] =	sst s0  }
0x18: {  	s0 =	sld [smem:$0x3F8E];
	_ =	swait.ge [sflag:s4], $0x0  }
0x19: {  	s7 =	sld [smem:$0x3F8F]  }
0x1a: {  	s8 =	sadd.s32 $0xFFFFE003, lr  }
0x1b: {  	s9 =	sadd.s32 $0xFFFFFEF7, lr;
	s5 =	simm.s32 $0xFFFFFFFF;
	p2 =	slt.u32 s8, $0xFFFFF086  }
0x1c: {  	p1 =	slt.u32 s9, $0xF7A;
	s5 =	simm.s32 @!p2 $0x0  }
0x1d: {  	s5 =	simm.s32 @p1 $0x1;
	p0 =	seq.s32 s7, s2  }
0x1e: {  	s7 =	smul.u32 @!p0 $0xF7A, s2;
	p2 =	seq.s32 @!p0 s5, $0x0  }
0x1f: {  	s9 =	smul.u32 $0xF7A, s1;
	s8 =	simm.s32 @!p0 $0x1BF5;
	p2 =	por !p2, p0  }
0x20: {  	[sflag:s8] =	ssyncset.s32 @!p0 $0xFFFFF086;
	s6 =	sadd.s32 @!p0 s3, s7;
	s7 =	simm.s32 @!p0 $0x108  }
0x21: {  	s3 =	sadd.s32 s3, s9;
	s6 =	sadd.s32 @!p0 $0x88, s6;
	s7 =	simm.s32 @p2 $0x1082  }
0x22: {  	[simem:s7], [sflag:s8] =	dma.local @!p0 [hbm:s6], $0xF7A  }
0x23: {  	s9 =	sor.u32 $0xD0000000, s2;
	s6 =	simm.s32 $0x108;
	_ =	swait.ge @!p0 [sflag:s8], $0x0  }
0x24: {  	s3 =	sadd.s32 $0x88, s3;
	s6 =	simm.s32 @!p1 $0x1082;
	[sflag:s4] =	ssyncset.s32 $0xFFFFF086  }
0x25: {  	[simem:s6], [sflag:s4] =	dma.local [hbm:s3], $0xF7A  }
0x26: {  	[smem:$0x3F8F] =	sst s1;
	(tag) =	ssettag s2;
	_ =	strace s9  }
0x27: {  	s1 =	sld [smem:$0x3F9F]  }
0x28: {  	s2 =	sld [smem:$0x3FA0]  }
0x29: {  	s4 =	sld [smem:$0x3FA2]  }
0x2a: {  	p0 =	seq.s32 s5, $0x0;
	s5 =	sld [smem:$0x3FA3]  }
0x2b: {  	s6 =	sld [smem:$0x3FA4]  }
0x2c: {  	s7 =	sld [smem:$0x3FA5]  }
0x2d: {  	s3 =	simm.s32 $0x108;
	s8 =	sld [smem:$0x3FA6]  }
0x2e: {  	s3 =	simm.s32 @!p0 $0x1082;
	s9 =	sld [smem:$0x3FA7]  }
0x2f: {  	lr =	sadd.s32 s0, s3;
	s0 =	sld [smem:$0x3F9E]  }
0x30: {  	s3 =	sld [smem:$0x3FA1]  }
0x31: {  	[smem:$0x3FAA] =	sst s10  }
0x32: {  	s10 =	sld [smem:$0x3FA8];
	_ =	sdelay $0x3  }
0x33: {  	p0 =	seq.s32 s10, $0x1;
	s10 =	sld [smem:$0x3FAA];
	_ =	sdelay $0x3  }
0x34: {  	[smem:$0x3FAA] =	sst s10  }
0x35: {  	s10 =	sld [smem:$0x3FA9];
	_ =	sdelay $0x3  }
0x36: {  	p1 =	seq.s32 s10, $0x1;
	s10 =	sld [smem:$0x3FAA];
	_ =	sdelay $0x3  }
0x37: {  	[smem:$0x3FAA] =	sst s10  }
0x38: {  	s10 =	sld [smem:$0x3FAB]  }
0x39: {  	_ = 	snop;
	(pc) =	sbr.ind lr, $3  }
0x3a: {  	_ = 	snop  }
0x3b: {  	_ = 	snop  }
0x3c: {  	p2 =	seq.s32 s10, $0x1;
	s10 =	sld [smem:$0x3FAA]  }
0x3d: {  	_ =	shalt  }
0x3e: {  	_ =	shalt  }
0x3f: {  	_ =	shalt  }
0x40: {  	_ =	shalt  }
0x41: {  	_ =	shalt  }
0x42: {  	_ =	shalt  }
0x43: {  	_ =	shalt  }
0x44: {  	_ =	shalt  }
0x45: {  	_ =	shalt  }
0x46: {  	_ =	shalt  }
0x47: {  	_ =	shalt  }
0x48: {  	_ =	shalt  }
0x49: {  	_ =	shalt  }
0x4a: {  	_ =	shalt  }
0x4b: {  	_ =	shalt  }
0x4c: {  	_ =	shalt  }
0x4d: {  	_ =	shalt  }
0x4e: {  	_ =	shalt  }
0x4f: {  	_ =	shalt  }
0x50: {  	_ =	shalt  }
0x51: {  	_ =	shalt  }
0x52: {  	_ =	shalt  }
0x53: {  	_ =	shalt  }
0x54: {  	_ =	shalt  }
0x55: {  	_ =	shalt  }
0x56: {  	_ =	shalt  }
0x57: {  	_ =	shalt  }
0x58: {  	_ =	shalt  }
0x59: {  	_ =	shalt  }
0x5a: {  	_ =	shalt  }
0x5b: {  	_ =	shalt  }
0x5c: {  	_ =	shalt  }
0x5d: {  	_ =	shalt  }
0x5e: {  	_ =	shalt  }
0x5f: {  	_ =	shalt  }
0x60: {  	_ =	shalt  }
0x61: {  	_ =	shalt  }
0x62: {  	_ =	shalt  }
0x63: {  	_ =	shalt  }
0x64: {  	_ =	shalt  }
0x65: {  	_ =	shalt  }
0x66: {  	_ =	shalt  }
0x67: {  	_ =	shalt  }
0x68: {  	_ =	shalt  }
0x69: {  	_ =	shalt  }
0x6a: {  	_ =	shalt  }
0x6b: {  	_ =	shalt  }
0x6c: {  	_ =	shalt  }
0x6d: {  	_ =	shalt  }
0x6e: {  	_ =	shalt  }
0x6f: {  	_ =	shalt  }
0x70: {  	_ =	shalt  }
0x71: {  	_ =	shalt  }
0x72: {  	_ =	shalt  }
0x73: {  	_ =	shalt  }
0x74: {  	_ =	shalt  }
0x75: {  	_ =	shalt  }
0x76: {  	_ =	shalt  }
0x77: {  	_ =	shalt  }
0x78: {  	_ =	shalt  }
0x79: {  	_ =	shalt  }
0x7a: {  	_ =	shalt  }
0x7b: {  	_ =	shalt  }
0x7c: {  	_ =	shalt  }
0x7d: {  	_ =	shalt  }
0x7e: {  	_ =	shalt  }
0x7f: {  	_ =	shalt  }
0x80: {  	_ =	shalt  }
0x81: {  	_ =	shalt  }
0x82: {  	_ =	shalt  }
0x83: {  	_ =	shalt  }
0x84: {  	_ =	shalt  }
0x85: {  	_ =	shalt  }
0x86: {  	_ =	shalt  }
0x87: {  	_ =	shalt  }
.Lfunc_end0:
.L_simem_size_0:
called_computation.1_lowered:
.L_overlay_start_0:
0x88: {  	s2 =	sld [smem:$0x3FD9]  }
0x89: {  	s3 =	sld [smem:$0x3FFE];
	_ =	sdelay $0x1  }
0x8a: {  	s1 =	srdreg.scid  }
0x8b: {  	s0 =	sand.u32 $0x1, s1  }
0x8c: {  	s17 =	sshll.u32 s0, $0xA;
	s2 =	sadd.s32 s3, s2  }
0x8d: {  	s2 =	sadd.s32 s2, s17  }
0x8e: {  	[smem:$0x3FB6] =	sst s2  }
0x8f: {  	_ = 	snop  }
0x90: {  	(tm) =	ssettm $0x1  }
0x91: {  	s18 =	sld [smem:$0x3FFB];
	_ =	sdelay $0x3  }
0x92: {  	_ =	strace s18  }
0x93: {  	s2 =	sld [smem:$0x3FFC];
	_ =	sdelay $0x3  }
0x94: {  	_ =	strace s2  }
0x95: {  	s2 =	sld [smem:$0x3FFD];
	_ =	sdelay $0x3  }
0x96: {  	_ =	strace s2  }
0x97: {  	_ =	strace $0x8FFFFFFF  }
0x98: {  	s19 =	sld [smem:$0x3FDB];
	_ =	sdelay $0x1  }
0x99: {  	s20 =	simm.s32 $_scs_section_size  }
0x9a: {  	s4 =	simm.s32 $_size__tile_overlayer_lowered;
	s5 =	simm.s32 $_tile_overlayer_lowered  }
0x9b: {  	s6 =	simm.s32 $0x1BFF;
	s21 =	sshll.u32 s5, $0x1;
	s3 =	sadd.s32 s20, s19  }
0x9c: {  	s22 =	simm.s32 $0x0;
	s4 =	sshll.u32 s4, $0x1;
	s5 =	sadd.s32 s21, s3  }
0x9d: {  	[timem:s22], [sflag:s6] =	dma.local [hbm:s5], s4  }
0x9e: {  	_ =	swait.ge [sflag:s6], s4  }
0x9f: {  	s4 =	ssub.s32 $0x0, s4;
	[sflag:s6] =	ssyncset.done $0x0  }
0xa0: {  	[sflag:s6] =	ssyncadd.s32 s4;
	_ =	sdelay $0x1  }
0xa1: {  	s23 =	simm.s32 $0x1B8B  }
0xa2: {  	_ =	swait.ge [sflag:s23], $0x1  }
0xa3: {  	[sflag:s23] =	ssyncset.done $0x0  }
0xa4: {  	[sflag:s23] =	ssyncadd.s32 $0xFFFFFFFF  }
0xa5: {  	s4 =	sld [smem:$0x0]  }
0xa6: {  	s5 =	sand.u32 $0xFFFFFFFE, s1  }
0xa7: {  	p0 =	sne.s32 s1, s5  }
0xa8: {  	s5 =	sshll.u32 @p0 s5, $0xE  }
0xa9: {  	s5 =	sadd.s32 @p0 $0x11B8D, s5;
	s6 =	sshll.u32 @p0 s4, $0x11  }
0xaa: {  	s5 =	sor.u32 @p0 s6, s5  }
0xab: {  	[sflag:s5] =	ssyncadd.remote.s32 @p0 $0x1;
	_ =	sdelay $0x1  }
0xac: {  	s5 =	simm.s32 @p0 $0x1B8D  }
0xad: {  	_ =	swait.eq @p0 [sflag:s5], $0x1  }
0xae: {  	[sflag:s5] =	ssyncadd.s32 @p0 $0xFFFFFFFF  }
0xaf: {  	s6 =	sshll.u32 @!p0 s1, $0xE  }
0xb0: {  	s6 =	sor.u32 @!p0 $0x4000, s6;
	s5 =	simm.s32 @!p0 $0x1B8D  }
0xb1: {  	s4 =	sshll.u32 @!p0 s4, $0x11;
	s6 =	sadd.s32 @!p0 $0x11B8D, s6;
	_ =	swait.eq @!p0 [sflag:s5], $0x1  }
0xb2: {  	s4 =	sor.u32 @!p0 s4, s6;
	[sflag:s5] =	ssyncadd.s32 @!p0 $0xFFFFFFFF  }
0xb3: {  	s25 =	simm.s32 $0x1B8E;
	s24 =	sld [smem:$0x3FFE];
	[sflag:s4] =	ssyncadd.remote.s32 @!p0 $0x1  }
0xb4: {  	s26 =	simm.s32 $execute0_lowered;
	[smem:$0x3FD2] =	sst s25  }
0xb5: {  	s5 =	sshll.u32 s26, $0x1;
	_ =	strace $0x8000004C;
	[dreg:$0x1] =	wrdreg $0xFFFFFFFF  }
0xb6: {  	s28 =	simm.s32 $_size_execute0_lowered;
	s3 =	sadd.s32 s3, s5;
	[dreg:$0x0] =	wrdreg $0x0  }
0xb7: {  	s5 =	sshll.u32 s28, $0x1;
	[dreg:$0x2] =	wrdreg s3  }
0xb8: {  	[dreg:$0x3] =	wrdreg s5  }
0xb9: {  	[dreg:$0x4] =	wrdreg $0xC0  }
0xba: {  	_ =	task [dreg:s22], $0x5FFFF  }
0xbb: {  	[dreg:$0x1] =	wrdreg $0xFFFFFFFF  }
0xbc: {  	[dreg:$0x0] =	wrdreg $0x60  }
0xbd: {  	[dreg:$0x2] =	wrdreg s24  }
0xbe: {  	[dreg:$0x3] =	wrdreg $0x9  }
0xbf: {  	_ =	task.clear_ibuf [dreg:s22], $0x4FFFF;
	_ =	strace $0x9000004C  }
0xc0: {  	s29 =	simm.s32 $0x9;
	_ =	strace $0x8000004E  }
0xc1: {  	_ =	swait.ge [sflag:s29], $0x1  }
0xc2: {  	[sflag:s29] =	ssyncadd.s32 $0xFFFFFFFF  }
0xc3: {  	_ =	strace $0x9000004E  }
0xc4: {  	_ =	sfence  }
0xc5: {  	s30 =	sld [smem:$0x0];
	_ =	sdelay $0x2  }
0xc6: {  	s31 =	sshll.u32 s1, $0xD;
	s1 =	sshrl.u32 s1, $0x2  }
0xc7: {  	s4 =	sand.u32 $0x4000, s31;
	s1 =	sadd.s32 s1, s30  }
0xc8: {  	s0 =	sor.u32 s4, s0;
	s1 =	sshll.u32 s1, $0x11  }
0xc9: {  	s0 =	sor.u32 s1, s0  }
0xca: {  	s0 =	sadd.s32 $0x8F2B, s0  }
0xcb: {  	[sflag:s0] =	ssyncadd.remote.s32 $0x1  }
0xcc: {  	_ =	sfence.sel $0xFFFF  }
0xcd: {  	[dreg:$0x0] =	wrdreg $0xFFFFFFFF;
	(pc) =	sbr.abs _section_cstart, $3  }
0xce: {  	[dreg:$0x1] =	wrdreg $0xFFFFFFFF  }
0xcf: {  	_ =	task.clear_ibuf [dreg:s22], $0x2FFFF;
	_ =	strace $0x9FFFFFFF  }
0xd0: {  	(tm) =	ssettm $0x7FFFFFFF  }
0xd1: {  	_ =	shalt  }
tec
execute0_lowered:
.L_overlay_start_1:
0x0: {  	(tag) =	ssettag $0x1  }
0x1: {  	s4 =	rddreg [dreg:$0x0]  }
0x2: {  	s0 =	rddreg [dreg:$0x1];
	s2 =	simm.s32 $0x0  }
0x3: {  	s3 =	srdreg.scid;
	s1 =	stileid.u32;
	s11 =	simm.s32 $0xFA0  }
0x4: {  	s12 =	simm.s32 $0x8CA0;
	s13 =	simm.s32 $0x1;
	s6 =	smul.u32 $0x30D40, s1  }
0x5: {  	s14 =	simm.s32 $0x2;
	s5 =	sand.u32 $0x1, s3;
	s8 =	smul.u32 $0x61A80, s1  }
0x6: {  	s15 =	simm.s32 $0x0;
	[smem:$0x7FF] =	sst s2;
	s7 =	smul.u32 $0x186A0, s5  }
0x7: {  	s3 =	sadd.s32 $0x2B3800, s4;
	s29 =	ssub.s32 $0x2, s5;
	s5 =	smul.u32 $0x30D40, s5  }
0x8: {  	_ =	strace $0x8000004D;
	s8 =	sadd.s32 s8, s4;
	s9 =	sshrl.u32 s29, $0x1  }
0x9: {  	s6 =	sadd.s32 s7, s6;
	s30 =	ssub.s32 s29, s9;
	s31 =	sadd.s32 s5, s8  }
0xa: {  	s9 =	simm.s32 $0x3;
	s6 =	sshrl.u32 s6, $0x3;
	s5 =	sadd.s32 $0x8FEE00, s31  }
0xb: {  	s10 =	sadd.s32 s6, s4;
	s4 =	smax.u32 s30, $0x1;
	s6 =	sadd.s32 $0x2E4600, s31  }
0xc: {  	s7 =	sadd.s32 $0x4600, s10;
	s8 =	sadd.s32 $0x66200, s10;
	s10 =	simm.s32 $0x7D0  }
.LBB2_1:
0xd: {  	s16 =	sadd.s32 $0x0, s8  }
0xe: {  	[tilespmem:s2], [sflag:$0x3] =	stream.linear.gather [hbm4b:s16+s2], $0x7D0, $0x38;
	[tilespmem:$0x109A0] =	vst v63  }
0xf: {  	_ =	swait.ge [sflag:s9], $0x7D0  }
0x10: {  	[sflag:s9] =	ssyncset.done $0x0  }
0x11: {  	s31 =	sadd.s32 $0x0, s7;
	[sflag:s9] =	ssyncadd.s32 $0xFFFFF830  }
0x12: {  	[tilespmem:s10], [sflag:$0x3] =	stream.linear.gather [hbm4b:s31+s2], $0x7D0, $0x38;
	[tilespmem:$0x109A0] =	vst v63  }
0x13: {  	_ =	swait.ge [sflag:s9], $0x7D0  }
0x14: {  	[sflag:s9] =	ssyncset.done $0x0  }
0x15: {  	[sflag:s9] =	ssyncadd.s32 $0xFFFFF830  }
0x16: {  	[tilespmem:s11], [sflag:$0x1] =	stream.indirect.gather [hbm4b:s3+s10], $0x10, s2, s10, $0xb8;
	[tilespmem:$0x109A0] =	vst v63  }
0x17: {  	_ = 	snop  }
0x18: {  	[tilespmem:s12], [sflag:$0x2] =	stream.indirect.gather [hbm4b:s3+s10], $0x10, s10, s10, $0xb8;
	[tilespmem:$0x109A0] =	vst v63  }
0x19: {  	_ =	swait.ge [sflag:s13], $0x7D00  }
0x1a: {  	[sflag:s13] =	ssyncset.done $0x0  }
0x1b: {  	[sflag:s13] =	ssyncadd.s32 $0xFFFF8300  }
0x1c: {  	_ =	swait.ge [sflag:s14], $0x7D00  }
0x1d: {  	[sflag:s14] =	ssyncset.done $0x0  }
0x1e: {  	[sflag:s14] =	ssyncadd.s32 $0xFFFF8300  }
0x1f: {  	[hbm4b:s6+s2] =	stream.linear.scatter [tilespmem:s11], [sflag:$0x3], $0x7D00, $0x38;
	[tilespmem:$0x109A0] =	vst v63  }
0x20: {  	_ =	swait.ge [sflag:s9], $0x7D00  }
0x21: {  	[sflag:s9] =	ssyncset.done $0x0  }
0x22: {  	[sflag:s9] =	ssyncadd.s32 $0xFFFF8300  }
0x23: {  	[hbm4b:s5+s2] =	stream.linear.scatter [tilespmem:s12], [sflag:$0x3], $0x7D00, $0x38;
	[tilespmem:$0x109A0] =	vst v63  }
0x24: {  	s18 =	simm.s32 $0xFA;
	s19 =	simm.s32 $0x1F4;
	_ =	swait.ge [sflag:s9], $0x7D00  }
0x25: {  	s17 =	sadd.s32 $0xFA0, s6;
	s16 =	sadd.s32 $0xFA0, s5;
	[sflag:s9] =	ssyncset.done $0x0  }
.LBB2_2:
0x26: {  	s20 =	sadd.s32 s18, s8  }
0x27: {  	[sflag:s9] =	ssyncadd.s32 $0xFFFF8300;
	s21 =	smov.u32 s19;
	s22 =	sadd.s32 $0xFA, s19  }
0x28: {  	[tilespmem:s2], [sflag:$0x3] =	stream.linear.gather [hbm4b:s20+s2], $0x7D0, $0x38;
	[tilespmem:$0x109A0] =	vst v63  }
0x29: {  	p0 =	sne.s32 s19, $0x2FDA;
	_ =	swait.ge [sflag:s9], $0x7D0  }
0x2a: {  	[sflag:s9] =	ssyncset.done $0x0  }
0x2b: {  	s19 =	sadd.s32 s18, s7;
	s18 =	smov.u32 s21;
	[sflag:s9] =	ssyncadd.s32 $0xFFFFF830  }
0x2c: {  	[tilespmem:s10], [sflag:$0x3] =	stream.linear.gather [hbm4b:s19+s2], $0x7D0, $0x38;
	[tilespmem:$0x109A0] =	vst v63  }
0x2d: {  	_ =	swait.ge [sflag:s9], $0x7D0  }
0x2e: {  	[sflag:s9] =	ssyncset.done $0x0  }
0x2f: {  	[sflag:s9] =	ssyncadd.s32 $0xFFFFF830  }
0x30: {  	[tilespmem:s11], [sflag:$0x1] =	stream.indirect.gather [hbm4b:s3+s10], $0x10, s2, s10, $0xb8;
	[tilespmem:$0x109A0] =	vst v63  }
0x31: {  	_ = 	snop  }
0x32: {  	[tilespmem:s12], [sflag:$0x2] =	stream.indirect.gather [hbm4b:s3+s10], $0x10, s10, s10, $0xb8;
	[tilespmem:$0x109A0] =	vst v63  }
0x33: {  	_ =	swait.ge [sflag:s13], $0x7D00  }
0x34: {  	[sflag:s13] =	ssyncset.done $0x0  }
0x35: {  	[sflag:s13] =	ssyncadd.s32 $0xFFFF8300  }
0x36: {  	_ =	swait.ge [sflag:s14], $0x7D00  }
0x37: {  	[sflag:s14] =	ssyncset.done $0x0  }
0x38: {  	[sflag:s14] =	ssyncadd.s32 $0xFFFF8300  }
0x39: {  	[hbm4b:s17+s2] =	stream.linear.scatter [tilespmem:s11], [sflag:$0x3], $0x7D00, $0x38;
	[tilespmem:$0x109A0] =	vst v63  }
0x3a: {  	_ =	swait.ge [sflag:s9], $0x7D00  }
.Ltmp0:
0x3b: {  	[sflag:s9] =	ssyncset.done $0x0;
	(pc) =	sbr.rel @p0 .LBB2_2-.Ltmp0, $4  }
0x3c: {  	[sflag:s9] =	ssyncadd.s32 $0xFFFF8300  }
0x3d: {  	[hbm4b:s16+s2] =	stream.linear.scatter [tilespmem:s12], [sflag:$0x3], $0x7D00, $0x38;
	[tilespmem:$0x109A0] =	vst v63  }
0x3e: {  	s19 =	smov.u32 s22;
	_ =	swait.ge [sflag:s9], $0x7D00  }
0x3f: {  	s17 =	sadd.s32 $0xFA0, s17;
	s16 =	sadd.s32 $0xFA0, s16;
	[sflag:s9] =	ssyncset.done $0x0  }
0x40: {  	s19 =	sadd.s32 s18, s8;
	[sflag:s9] =	ssyncadd.s32 $0xFFFF8300  }
0x41: {  	[tilespmem:s2], [sflag:$0x3] =	stream.linear.gather [hbm4b:s19+s2], $0x7D0, $0x38;
	[tilespmem:$0x109A0] =	vst v63  }
0x42: {  	_ =	swait.ge [sflag:s9], $0x7D0  }
0x43: {  	[sflag:s9] =	ssyncset.done $0x0  }
0x44: {  	s31 =	sadd.s32 s18, s7;
	[sflag:s9] =	ssyncadd.s32 $0xFFFFF830  }
0x45: {  	[tilespmem:s10], [sflag:$0x3] =	stream.linear.gather [hbm4b:s31+s2], $0x7D0, $0x38;
	[tilespmem:$0x109A0] =	vst v63  }
0x46: {  	_ =	swait.ge [sflag:s9], $0x7D0  }
0x47: {  	[sflag:s9] =	ssyncset.done $0x0  }
0x48: {  	[sflag:s9] =	ssyncadd.s32 $0xFFFFF830  }
0x49: {  	[tilespmem:s11], [sflag:$0x1] =	stream.indirect.gather [hbm4b:s3+s10], $0x10, s2, s10, $0xb8;
	[tilespmem:$0x109A0] =	vst v63  }
0x4a: {  	_ = 	snop  }
0x4b: {  	[tilespmem:s12], [sflag:$0x2] =	stream.indirect.gather [hbm4b:s3+s10], $0x10, s10, s10, $0xb8;
	[tilespmem:$0x109A0] =	vst v63  }
0x4c: {  	_ =	swait.ge [sflag:s13], $0x7D00  }
0x4d: {  	[sflag:s13] =	ssyncset.done $0x0  }
0x4e: {  	[sflag:s13] =	ssyncadd.s32 $0xFFFF8300  }
0x4f: {  	_ =	swait.ge [sflag:s14], $0x7D00  }
0x50: {  	[sflag:s14] =	ssyncset.done $0x0  }
0x51: {  	[sflag:s14] =	ssyncadd.s32 $0xFFFF8300  }
0x52: {  	[hbm4b:s17+s2] =	stream.linear.scatter [tilespmem:s11], [sflag:$0x3], $0x7D00, $0x38;
	[tilespmem:$0x109A0] =	vst v63  }
0x53: {  	s15 =	sadd.s32 $0x1, s15;
	_ =	swait.ge [sflag:s9], $0x7D00  }
0x54: {  	p0 =	sne.s32 s15, s4;
	[sflag:s9] =	ssyncset.done $0x0  }
.Ltmp1:
0x55: {  	[sflag:s9] =	ssyncadd.s32 $0xFFFF8300;
	(pc) =	sbr.rel @p0 .LBB2_1-.Ltmp1, $4  }
0x56: {  	[hbm4b:s16+s2] =	stream.linear.scatter [tilespmem:s12], [sflag:$0x3], $0x7D00, $0x38;
	[tilespmem:$0x109A0] =	vst v63  }
0x57: {  	_ =	swait.ge [sflag:s9], $0x7D00  }
0x58: {  	[sflag:s9] =	ssyncset.done $0x0  }
0x59: {  	[sflag:s9] =	ssyncadd.s32 $0xFFFF8300  }
0x5a: {  	_ =	sfence.sel $0x180000  }
0x5b: {  	[bflag:$0x0] =	sbarrier.arrive $0xFFFF  }
0x5c: {  	p0 =	sne.s32 s1, $0x0;
	_ =	strace $0x9000004D  }
0x5d: {  	s0 =	sadd.s32 @!p0 $0x100000, s0;
	[bflag:$0x2] =	sbarrier.arrive $0xFFFF  }
0x5e: {  	[sflag:s0] =	ssyncadd.tile.s32 @!p0 $0x1;
	_ =	shalt  }
.Lfunc_end2:
_tile_overlayer_lowered:
.L_overlay_start_2:
0x5f: {  	(tag) =	ssettag $0x2  }
0x60: {  	s0 =	rddreg [dreg:$0x0];
	s2 =	stileid.u32  }
0x61: {  	s1 =	rddreg [dreg:$0x1];
	p0 =	sne.s32 s2, $0x0  }
0x62: {  	s3 =	rddreg [dreg:$0x2];
	[bflag:$0x3] =	sbarrier.arrive $0xFFFF;
	s2 =	simm.s32 @!p0 $0x1C03  }
0x63: {  	[timem:s3], [sflag:s2] =	dma.local @!p0 [hbm:s0], s1  }
0x64: {  	s0 =	simm.s32 @!p0 $0x3  }
0x65: {  	_ =	swait.ge @!p0 [sflag:s0], s1  }
0x66: {  	s1 =	ssub.s32 @!p0 $0x0, s1;
	[sflag:s0] =	ssyncset.done @!p0 $0x0  }
0x67: {  	[sflag:s0] =	ssyncadd.s32 @!p0 s1  }
0x68: {  	[bflag:$0x3] =	sbarrier.arrive $0xFFFF  }
0x69: {  	_ =	shalt  }

// kernel: kernel.14.cloned.1.call-start
scs
__scs_entry_jumppad:
0x0: {  	(pc) =	sbr.rel $0x88, $3  }
0x1: {  	(tag) =	ssettag $0x0;
	lr =	simm.s32 $0x1  }
0x2: {  	[smem:$0x3F8F] =	sst lr;
	_ =	strace $0xD0000000  }
0x3: {  	_ = 	snop  }
0x4: {  	_ = 	snop  }
0x5: {  	_ = 	snop  }
0x6: {  	_ = 	snop  }
0x7: {  	_ = 	snop  }
__scs_overlays_trampoline_lowered:
0x8: {  	[smem:$0x3F9E] =	sst s0  }
0x9: {  	[smem:$0x3F9F] =	sst s1  }
0xa: {  	[smem:$0x3FA0] =	sst s2  }
0xb: {  	[smem:$0x3FA1] =	sst s3  }
0xc: {  	[smem:$0x3FA2] =	sst s4  }
0xd: {  	[smem:$0x3FA3] =	sst s5  }
0xe: {  	[smem:$0x3FA4] =	sst s6  }
0xf: {  	[smem:$0x3FA5] =	sst s7  }
0x10: {  	[smem:$0x3FA6] =	sst s8  }
0x11: {  	[smem:$0x3FA7] =	sst s9;
	s0 =	simm.s32 @!p0 $0x0  }
0x12: {  	s1 =	sld [smem:$0x3F8D];
	s0 =	simm.s32 @p0 $0x1  }
0x13: {  	[smem:$0x3FA8] =	sst s0;
	s0 =	simm.s32 @!p1 $0x0  }
0x14: {  	s2 =	sld [smem:$0x3F8C];
	s0 =	simm.s32 @p1 $0x1  }
0x15: {  	[smem:$0x3FA9] =	sst s0;
	s0 =	simm.s32 @!p2 $0x0  }
0x16: {  	s3 =	sld [smem:$0x3FDB];
	s0 =	simm.s32 @p2 $0x1  }
0x17: {  	s4 =	simm.s32 $0x1BF5;
	[smem:$0x3FAB] =	sst s0  }
0x18: {  	s0 =	sld [smem:$0x3F8E];
	_ =	swait.ge [sflag:s4], $0x0  }
0x19: {  	s7 =	sld [smem:$0x3F8F]  }
0x1a: {  	s8 =	sadd.s32 $0xFFFFE003, lr  }
0x1b: {  	s9 =	sadd.s32 $0xFFFFFEF7, lr;
	s5 =	simm.s32 $0xFFFFFFFF;
	p2 =	slt.u32 s8, $0xFFFFF086  }
0x1c: {  	p1 =	slt.u32 s9, $0xF7A;
	s5 =	simm.s32 @!p2 $0x0  }
0x1d: {  	s5 =	simm.s32 @p1 $0x1;
	p0 =	seq.s32 s7, s2  }
0x1e: {  	s7 =	smul.u32 @!p0 $0xF7A, s2;
	p2 =	seq.s32 @!p0 s5, $0x0  }
0x1f: {  	s9 =	smul.u32 $0xF7A, s1;
	s8 =	simm.s32 @!p0 $0x1BF5;
	p2 =	por !p2, p0  }
0x20: {  	[sflag:s8] =	ssyncset.s32 @!p0 $0xFFFFF086;
	s6 =	sadd.s32 @!p0 s3, s7;
	s7 =	simm.s32 @!p0 $0x108  }
0x21: {  	s3 =	sadd.s32 s3, s9;
	s6 =	sadd.s32 @!p0 $0x88, s6;
	s7 =	simm.s32 @p2 $0x1082  }
0x22: {  	[simem:s7], [sflag:s8] =	dma.local @!p0 [hbm:s6], $0xF7A  }
0x23: {  	s9 =	sor.u32 $0xD0000000, s2;
	s6 =	simm.s32 $0x108;
	_ =	swait.ge @!p0 [sflag:s8], $0x0  }
0x24: {  	s3 =	sadd.s32 $0x88, s3;
	s6 =	simm.s32 @!p1 $0x1082;
	[sflag:s4] =	ssyncset.s32 $0xFFFFF086  }
0x25: {  	[simem:s6], [sflag:s4] =	dma.local [hbm:s3], $0xF7A  }
0x26: {  	[smem:$0x3F8F] =	sst s1;
	(tag) =	ssettag s2;
	_ =	strace s9  }
0x27: {  	s1 =	sld [smem:$0x3F9F]  }
0x28: {  	s2 =	sld [smem:$0x3FA0]  }
0x29: {  	s4 =	sld [smem:$0x3FA2]  }
0x2a: {  	p0 =	seq.s32 s5, $0x0;
	s5 =	sld [smem:$0x3FA3]  }
0x2b: {  	s6 =	sld [smem:$0x3FA4]  }
0x2c: {  	s7 =	sld [smem:$0x3FA5]  }
0x2d: {  	s3 =	simm.s32 $0x108;
	s8 =	sld [smem:$0x3FA6]  }
0x2e: {  	s3 =	simm.s32 @!p0 $0x1082;
	s9 =	sld [smem:$0x3FA7]  }
0x2f: {  	lr =	sadd.s32 s0, s3;
	s0 =	sld [smem:$0x3F9E]  }
0x30: {  	s3 =	sld [smem:$0x3FA1]  }
0x31: {  	[smem:$0x3FAA] =	sst s10  }
0x32: {  	s10 =	sld [smem:$0x3FA8];
	_ =	sdelay $0x3  }
0x33: {  	p0 =	seq.s32 s10, $0x1;
	s10 =	sld [smem:$0x3FAA];
	_ =	sdelay $0x3  }
0x34: {  	[smem:$0x3FAA] =	sst s10  }
0x35: {  	s10 =	sld [smem:$0x3FA9];
	_ =	sdelay $0x3  }
0x36: {  	p1 =	seq.s32 s10, $0x1;
	s10 =	sld [smem:$0x3FAA];
	_ =	sdelay $0x3  }
0x37: {  	[smem:$0x3FAA] =	sst s10  }
0x38: {  	s10 =	sld [smem:$0x3FAB]  }
0x39: {  	_ = 	snop;
	(pc) =	sbr.ind lr, $3  }
0x3a: {  	_ = 	snop  }
0x3b: {  	_ = 	snop  }
0x3c: {  	p2 =	seq.s32 s10, $0x1;
	s10 =	sld [smem:$0x3FAA]  }
0x3d: {  	_ =	shalt  }
0x3e: {  	_ =	shalt  }
0x3f: {  	_ =	shalt  }
0x40: {  	_ =	shalt  }
0x41: {  	_ =	shalt  }
0x42: {  	_ =	shalt  }
0x43: {  	_ =	shalt  }
0x44: {  	_ =	shalt  }
0x45: {  	_ =	shalt  }
0x46: {  	_ =	shalt  }
0x47: {  	_ =	shalt  }
0x48: {  	_ =	shalt  }
0x49: {  	_ =	shalt  }
0x4a: {  	_ =	shalt  }
0x4b: {  	_ =	shalt  }
0x4c: {  	_ =	shalt  }
0x4d: {  	_ =	shalt  }
0x4e: {  	_ =	shalt  }
0x4f: {  	_ =	shalt  }
0x50: {  	_ =	shalt  }
0x51: {  	_ =	shalt  }
0x52: {  	_ =	shalt  }
0x53: {  	_ =	shalt  }
0x54: {  	_ =	shalt  }
0x55: {  	_ =	shalt  }
0x56: {  	_ =	shalt  }
0x57: {  	_ =	shalt  }
0x58: {  	_ =	shalt  }
0x59: {  	_ =	shalt  }
0x5a: {  	_ =	shalt  }
0x5b: {  	_ =	shalt  }
0x5c: {  	_ =	shalt  }
0x5d: {  	_ =	shalt  }
0x5e: {  	_ =	shalt  }
0x5f: {  	_ =	shalt  }
0x60: {  	_ =	shalt  }
0x61: {  	_ =	shalt  }
0x62: {  	_ =	shalt  }
0x63: {  	_ =	shalt  }
0x64: {  	_ =	shalt  }
0x65: {  	_ =	shalt  }
0x66: {  	_ =	shalt  }
0x67: {  	_ =	shalt  }
0x68: {  	_ =	shalt  }
0x69: {  	_ =	shalt  }
0x6a: {  	_ =	shalt  }
0x6b: {  	_ =	shalt  }
0x6c: {  	_ =	shalt  }
0x6d: {  	_ =	shalt  }
0x6e: {  	_ =	shalt  }
0x6f: {  	_ =	shalt  }
0x70: {  	_ =	shalt  }
0x71: {  	_ =	shalt  }
0x72: {  	_ =	shalt  }
0x73: {  	_ =	shalt  }
0x74: {  	_ =	shalt  }
0x75: {  	_ =	shalt  }
0x76: {  	_ =	shalt  }
0x77: {  	_ =	shalt  }
0x78: {  	_ =	shalt  }
0x79: {  	_ =	shalt  }
0x7a: {  	_ =	shalt  }
0x7b: {  	_ =	shalt  }
0x7c: {  	_ =	shalt  }
0x7d: {  	_ =	shalt  }
0x7e: {  	_ =	shalt  }
0x7f: {  	_ =	shalt  }
0x80: {  	_ =	shalt  }
0x81: {  	_ =	shalt  }
0x82: {  	_ =	shalt  }
0x83: {  	_ =	shalt  }
0x84: {  	_ =	shalt  }
0x85: {  	_ =	shalt  }
0x86: {  	_ =	shalt  }
0x87: {  	_ =	shalt  }
.Lfunc_end0:
.L_simem_size_0:
called_computation.2_lowered:
.L_overlay_start_0:
0x88: {  	s2 =	sld [smem:$0x3FD9]  }
0x89: {  	s3 =	sld [smem:$0x3FFE];
	_ =	sdelay $0x1  }
0x8a: {  	s1 =	srdreg.scid  }
0x8b: {  	s0 =	sand.u32 $0x1, s1  }
0x8c: {  	s16 =	sshll.u32 s0, $0xA;
	s2 =	sadd.s32 s3, s2  }
0x8d: {  	s2 =	sadd.s32 s2, s16  }
0x8e: {  	[smem:$0x3FB6] =	sst s2  }
0x8f: {  	_ = 	snop  }
0x90: {  	(tm) =	ssettm $0x1  }
0x91: {  	s17 =	sld [smem:$0x3FFB];
	_ =	sdelay $0x3  }
0x92: {  	_ =	strace s17  }
0x93: {  	s2 =	sld [smem:$0x3FFC];
	_ =	sdelay $0x3  }
0x94: {  	_ =	strace s2  }
0x95: {  	s2 =	sld [smem:$0x3FFD];
	_ =	sdelay $0x3  }
0x96: {  	_ =	strace s2  }
0x97: {  	_ =	strace $0x8FFFFFFF  }
0x98: {  	s18 =	sld [smem:$0x3FDB];
	_ =	sdelay $0x1  }
0x99: {  	s19 =	simm.s32 $_scs_section_size  }
0x9a: {  	s4 =	simm.s32 $_size__tile_overlayer_lowered;
	s5 =	simm.s32 $_tile_overlayer_lowered  }
0x9b: {  	s22 =	simm.s32 $0x1BFF;
	s21 =	sshll.u32 s5, $0x1;
	s2 =	sadd.s32 s19, s18  }
0x9c: {  	s6 =	simm.s32 $0x0;
	s20 =	sshll.u32 s4, $0x1;
	s4 =	sadd.s32 s21, s2  }
0x9d: {  	[timem:s6], [sflag:s22] =	dma.local [hbm:s4], s20  }
0x9e: {  	_ =	swait.ge [sflag:s22], s20  }
0x9f: {  	s3 =	ssub.s32 $0x0, s20;
	[sflag:s22] =	ssyncset.done $0x0  }
0xa0: {  	[sflag:s22] =	ssyncadd.s32 s3;
	_ =	sdelay $0x1  }
0xa1: {  	s23 =	simm.s32 $0x1B8B  }
0xa2: {  	_ =	swait.ge [sflag:s23], $0x1  }
0xa3: {  	[sflag:s23] =	ssyncset.done $0x0  }
0xa4: {  	s25 =	simm.s32 $0x1B8E;
	s24 =	sld [smem:$0x3FFE];
	[sflag:s23] =	ssyncadd.s32 $0xFFFFFFFF  }
0xa5: {  	s26 =	simm.s32 $execute0_lowered;
	[smem:$0x3FD2] =	sst s25  }
0xa6: {  	s4 =	sshll.u32 s26, $0x1;
	_ =	strace $0x80000049;
	[dreg:$0x1] =	wrdreg $0xFFFFFFFF  }
0xa7: {  	s28 =	simm.s32 $_size_execute0_lowered;
	s2 =	sadd.s32 s2, s4;
	[dreg:$0x0] =	wrdreg $0x0  }
0xa8: {  	s4 =	sshll.u32 s28, $0x1;
	[dreg:$0x2] =	wrdreg s2  }
0xa9: {  	[dreg:$0x3] =	wrdreg s4  }
0xaa: {  	[dreg:$0x4] =	wrdreg $0xC0  }
0xab: {  	_ =	task [dreg:s6], $0x5FFFF  }
0xac: {  	[dreg:$0x1] =	wrdreg $0xFFFFFFFF  }
0xad: {  	[dreg:$0x0] =	wrdreg $0x60  }
0xae: {  	[dreg:$0x2] =	wrdreg s24  }
0xaf: {  	[dreg:$0x3] =	wrdreg $0xA  }
0xb0: {  	_ =	task.clear_ibuf [dreg:s6], $0x4FFFF;
	_ =	strace $0x90000049  }
0xb1: {  	s29 =	simm.s32 $0xA;
	_ =	strace $0x8000004B  }
0xb2: {  	_ =	swait.ge [sflag:s29], $0x1  }
0xb3: {  	[sflag:s29] =	ssyncadd.s32 $0xFFFFFFFF  }
0xb4: {  	_ =	strace $0x9000004B  }
0xb5: {  	_ =	sfence  }
0xb6: {  	s30 =	sld [smem:$0x0];
	_ =	sdelay $0x2  }
0xb7: {  	s31 =	sshll.u32 s1, $0xD;
	s1 =	sshrl.u32 s1, $0x2  }
0xb8: {  	s3 =	sand.u32 $0x4000, s31;
	s1 =	sadd.s32 s1, s30  }
0xb9: {  	s0 =	sor.u32 s3, s0;
	s1 =	sshll.u32 s1, $0x11  }
0xba: {  	s0 =	sor.u32 s1, s0  }
0xbb: {  	s0 =	sadd.s32 $0x8F2B, s0  }
0xbc: {  	[sflag:s0] =	ssyncadd.remote.s32 $0x1  }
0xbd: {  	_ =	sfence.sel $0xFFFF  }
0xbe: {  	[dreg:$0x0] =	wrdreg $0xFFFFFFFF;
	(pc) =	sbr.abs _section_cstart, $3  }
0xbf: {  	[dreg:$0x1] =	wrdreg $0xFFFFFFFF  }
0xc0: {  	_ =	task.clear_ibuf [dreg:s6], $0x2FFFF;
	_ =	strace $0x9FFFFFFF  }
0xc1: {  	(tm) =	ssettm $0x7FFFFFFF  }
tec
execute0_lowered:
.L_overlay_start_1:
0x0: {  	(tag) =	ssettag $0x1  }
0x1: {  	s5 =	rddreg [dreg:$0x0]  }
0x2: {  	s0 =	rddreg [dreg:$0x1];
	s1 =	simm.s32 $0x0;
	s2 =	srdreg.scid  }
0x3: {  	s10 =	simm.s32 $0x19000;
	s11 =	simm.s32 $0x0;
	[smem:$0x7FF] =	sst s1  }
0x4: {  	s6 =	sand.u32 $0x1, s2;
	s3 =	sadd.s32 $0xC7E00, s5;
	s2 =	stileid.u32  }
0x5: {  	s4 =	sadd.s32 $0x66200, s5;
	s5 =	sadd.s32 $0xCB200, s5;
	s7 =	ssub.s32 $0x2, s6  }
0x6: {  	_ =	strace $0x8000004A;
	s9 =	sshll.u32 s2, $0x1;
	s8 =	sshrl.u32 s7, $0x1  }
0x7: {  	s6 =	sor.u32 s6, s9;
	s9 =	simm.s32 $0x18800;
	s7 =	ssub.s32 s7, s8  }
0x8: {  	s6 =	smul.u32 $0x186A0, s6;
	s8 =	simm.s32 $0x1;
	s7 =	smax.u32 s7, $0x1  }
.LBB2_1:
0x9: {  	[tilespmem:s1], [sflag:$0x1] =	stream.linear.gather [hbm4b:s3+s1], $0x18800, $0x38;
	[tilespmem:$0x19800] =	vst v63  }
0xa: {  	_ =	swait.ge [sflag:s8], $0x18800  }
0xb: {  	[sflag:s8] =	ssyncset.done $0x0  }
0xc: {  	s12 =	simm.s32 $0x0;
	[sflag:s8] =	ssyncadd.s32 $0xFFFE7800  }
.LBB2_2:
0xd: {  	s13 =	smul.u32 $0x7D0, s12;
	_ =	sdelay $0x1  }
0xe: {  	s13 =	sadd.s32 s6, s13  }
0xf: {  	s13 =	sshrl.u32 s13, $0x3  }
0x10: {  	s15 =	simm.s32 $0x0;
	s14 =	sadd.s32 s4, s13  }
0x11: {  	[tilespmem:s9], [sflag:$0x1] =	stream.linear.gather [hbm4b:s14+s15], $0x7D0, $0x38;
	[tilespmem:$0x19800] =	vst v63  }
0x12: {  	_ =	swait.ge [sflag:s8], $0x7D0  }
0x13: {  	[sflag:s8] =	ssyncset.done $0x0  }
0x14: {  	s14 =	simm.s32 $0x0;
	[sflag:s8] =	ssyncadd.s32 $0xFFFFF830  }
0x15: {  	v0 =	vld [tilespmem:s14+$0x18800];
	_ =	sdelay $0x7  }
0x16: {  	s16 =	simm.s32 $0x80;
	s15 =	simm.s32 $0x10;
	v0 =	vld.idx.msk [tilespmem:v0+s1+$0x0], $0xffff  }
.LBB2_3:
0x17: {  	p0 =	sne.s32 s16, $0x1F00;
	v1 =	vld [tilespmem:s15+$0x18800];
	_ =	sdelay $0x3  }
.Ltmp0:
0x18: {  	(pc) =	sbr.rel @p0 .LBB2_3-.Ltmp0, $2  }
0x19: {  	[tilespmem:s14+$0x19000] =	vst v0;
	s14 =	smov.u32 s15;
	_ =	sdelay $0x2  }
0x1a: {  	s15 =	sshra.s32 s16, $0x2;
	s16 =	sadd.s32 $0x40, s16;
	v0 =	vld.idx.msk [tilespmem:v1+s1+$0x0], $0xffff  }
0x1b: {  	v1 =	vld [tilespmem:s15+$0x18800];
	_ =	sdelay $0x6  }
0x1c: {  	[tilespmem:s14+$0x19000] =	vst v0  }
0x1d: {  	v0 =	vld.idx.msk [tilespmem:v1+s1+$0x0], $0xffff;
	_ =	sdelay $0x2  }
0x1e: {  	s12 =	sadd.s32 $0x1, s12  }
0x1f: {  	p0 =	sne.s32 s12, $0x32  }
.Ltmp1:
0x20: {  	s13 =	sadd.s32 s5, s13;
	[tilespmem:s15+$0x19000] =	vst v0;
	(pc) =	sbr.rel @p0 .LBB2_2-.Ltmp1, $4  }
0x21: {  	[hbm4b:s13+s1] =	stream.linear.scatter [tilespmem:s10], [sflag:$0x1], $0x7D0, $0x38;
	[tilespmem:$0x19800] =	vst v63  }
0x22: {  	_ =	swait.ge [sflag:s8], $0x7D0  }
0x23: {  	[sflag:s8] =	ssyncset.done $0x0  }
0x24: {  	[sflag:s8] =	ssyncadd.s32 $0xFFFFF830  }
0x25: {  	s11 =	sadd.s32 $0x1, s11  }
0x26: {  	p0 =	sne.s32 s11, s7  }
.Ltmp2:
0x27: {  	_ = 	snop;
	(pc) =	sbr.rel @p0 .LBB2_1-.Ltmp2, $1  }
0x28: {  	_ =	sdelay $0x3  }
0x29: {  	_ =	sfence.sel $0x180000  }
0x2a: {  	[bflag:$0x0] =	sbarrier.arrive $0xFFFF  }
0x2b: {  	p0 =	sne.s32 s2, $0x0;
	_ =	strace $0x9000004A  }
0x2c: {  	s0 =	sadd.s32 @!p0 $0x100000, s0;
	[bflag:$0x2] =	sbarrier.arrive $0xFFFF  }
0x2d: {  	[sflag:s0] =	ssyncadd.tile.s32 @!p0 $0x1;
	_ =	shalt  }
.Lfunc_end2:
_tile_overlayer_lowered:
.L_overlay_start_2:
0x2e: {  	(tag) =	ssettag $0x2  }
0x2f: {  	s0 =	rddreg [dreg:$0x0];
	s2 =	stileid.u32  }
0x30: {  	s1 =	rddreg [dreg:$0x1];
	p0 =	sne.s32 s2, $0x0  }
0x31: {  	s3 =	rddreg [dreg:$0x2];
	[bflag:$0x3] =	sbarrier.arrive $0xFFFF;
	s2 =	simm.s32 @!p0 $0x1C01  }
0x32: {  	[timem:s3], [sflag:s2] =	dma.local @!p0 [hbm:s0], s1  }
0x33: {  	s0 =	simm.s32 @!p0 $0x1  }
0x34: {  	_ =	swait.ge @!p0 [sflag:s0], s1  }
0x35: {  	s1 =	ssub.s32 @!p0 $0x0, s1;
	[sflag:s0] =	ssyncset.done @!p0 $0x0  }
0x36: {  	[sflag:s0] =	ssyncadd.s32 @!p0 s1  }
0x37: {  	[bflag:$0x3] =	sbarrier.arrive $0xFFFF  }
0x38: {  	_ =	shalt  }

// kernel: kernel.8.cloned.1.call-start
scs
__scs_entry_jumppad:
0x0: {  	(pc) =	sbr.rel $0x88, $3  }
0x1: {  	(tag) =	ssettag $0x0;
	lr =	simm.s32 $0x1  }
0x2: {  	[smem:$0x3F8F] =	sst lr;
	_ =	strace $0xD0000000  }
0x3: {  	_ = 	snop  }
0x4: {  	_ = 	snop  }
0x5: {  	_ = 	snop  }
0x6: {  	_ = 	snop  }
0x7: {  	_ = 	snop  }
__scs_overlays_trampoline_lowered:
0x8: {  	[smem:$0x3F9E] =	sst s0  }
0x9: {  	[smem:$0x3F9F] =	sst s1  }
0xa: {  	[smem:$0x3FA0] =	sst s2  }
0xb: {  	[smem:$0x3FA1] =	sst s3  }
0xc: {  	[smem:$0x3FA2] =	sst s4  }
0xd: {  	[smem:$0x3FA3] =	sst s5  }
0xe: {  	[smem:$0x3FA4] =	sst s6  }
0xf: {  	[smem:$0x3FA5] =	sst s7  }
0x10: {  	[smem:$0x3FA6] =	sst s8  }
0x11: {  	[smem:$0x3FA7] =	sst s9;
	s0 =	simm.s32 @!p0 $0x0  }
0x12: {  	s1 =	sld [smem:$0x3F8D];
	s0 =	simm.s32 @p0 $0x1  }
0x13: {  	[smem:$0x3FA8] =	sst s0;
	s0 =	simm.s32 @!p1 $0x0  }
0x14: {  	s2 =	sld [smem:$0x3F8C];
	s0 =	simm.s32 @p1 $0x1  }
0x15: {  	[smem:$0x3FA9] =	sst s0;
	s0 =	simm.s32 @!p2 $0x0  }
0x16: {  	s3 =	sld [smem:$0x3FDB];
	s0 =	simm.s32 @p2 $0x1  }
0x17: {  	s4 =	simm.s32 $0x1BF5;
	[smem:$0x3FAB] =	sst s0  }
0x18: {  	s0 =	sld [smem:$0x3F8E];
	_ =	swait.ge [sflag:s4], $0x0  }
0x19: {  	s7 =	sld [smem:$0x3F8F]  }
0x1a: {  	s8 =	sadd.s32 $0xFFFFE003, lr  }
0x1b: {  	s9 =	sadd.s32 $0xFFFFFEF7, lr;
	s5 =	simm.s32 $0xFFFFFFFF;
	p2 =	slt.u32 s8, $0xFFFFF086  }
0x1c: {  	p1 =	slt.u32 s9, $0xF7A;
	s5 =	simm.s32 @!p2 $0x0  }
0x1d: {  	s5 =	simm.s32 @p1 $0x1;
	p0 =	seq.s32 s7, s2  }
0x1e: {  	s7 =	smul.u32 @!p0 $0xF7A, s2;
	p2 =	seq.s32 @!p0 s5, $0x0  }
0x1f: {  	s9 =	smul.u32 $0xF7A, s1;
	s8 =	simm.s32 @!p0 $0x1BF5;
	p2 =	por !p2, p0  }
0x20: {  	[sflag:s8] =	ssyncset.s32 @!p0 $0xFFFFF086;
	s6 =	sadd.s32 @!p0 s3, s7;
	s7 =	simm.s32 @!p0 $0x108  }
0x21: {  	s3 =	sadd.s32 s3, s9;
	s6 =	sadd.s32 @!p0 $0x88, s6;
	s7 =	simm.s32 @p2 $0x1082  }
0x22: {  	[simem:s7], [sflag:s8] =	dma.local @!p0 [hbm:s6], $0xF7A  }
0x23: {  	s9 =	sor.u32 $0xD0000000, s2;
	s6 =	simm.s32 $0x108;
	_ =	swait.ge @!p0 [sflag:s8], $0x0  }
0x24: {  	s3 =	sadd.s32 $0x88, s3;
	s6 =	simm.s32 @!p1 $0x1082;
	[sflag:s4] =	ssyncset.s32 $0xFFFFF086  }
0x25: {  	[simem:s6], [sflag:s4] =	dma.local [hbm:s3], $0xF7A  }
0x26: {  	[smem:$0x3F8F] =	sst s1;
	(tag) =	ssettag s2;
	_ =	strace s9  }
0x27: {  	s1 =	sld [smem:$0x3F9F]  }
0x28: {  	s2 =	sld [smem:$0x3FA0]  }
0x29: {  	s4 =	sld [smem:$0x3FA2]  }
0x2a: {  	p0 =	seq.s32 s5, $0x0;
	s5 =	sld [smem:$0x3FA3]  }
0x2b: {  	s6 =	sld [smem:$0x3FA4]  }
0x2c: {  	s7 =	sld [smem:$0x3FA5]  }
0x2d: {  	s3 =	simm.s32 $0x108;
	s8 =	sld [smem:$0x3FA6]  }
0x2e: {  	s3 =	simm.s32 @!p0 $0x1082;
	s9 =	sld [smem:$0x3FA7]  }
0x2f: {  	lr =	sadd.s32 s0, s3;
	s0 =	sld [smem:$0x3F9E]  }
0x30: {  	s3 =	sld [smem:$0x3FA1]  }
0x31: {  	[smem:$0x3FAA] =	sst s10  }
0x32: {  	s10 =	sld [smem:$0x3FA8];
	_ =	sdelay $0x3  }
0x33: {  	p0 =	seq.s32 s10, $0x1;
	s10 =	sld [smem:$0x3FAA];
	_ =	sdelay $0x3  }
0x34: {  	[smem:$0x3FAA] =	sst s10  }
0x35: {  	s10 =	sld [smem:$0x3FA9];
	_ =	sdelay $0x3  }
0x36: {  	p1 =	seq.s32 s10, $0x1;
	s10 =	sld [smem:$0x3FAA];
	_ =	sdelay $0x3  }
0x37: {  	[smem:$0x3FAA] =	sst s10  }
0x38: {  	s10 =	sld [smem:$0x3FAB]  }
0x39: {  	_ = 	snop;
	(pc) =	sbr.ind lr, $3  }
0x3a: {  	_ = 	snop  }
0x3b: {  	_ = 	snop  }
0x3c: {  	p2 =	seq.s32 s10, $0x1;
	s10 =	sld [smem:$0x3FAA]  }
0x3d: {  	_ =	shalt  }
0x3e: {  	_ =	shalt  }
0x3f: {  	_ =	shalt  }
0x40: {  	_ =	shalt  }
0x41: {  	_ =	shalt  }
0x42: {  	_ =	shalt  }
0x43: {  	_ =	shalt  }
0x44: {  	_ =	shalt  }
0x45: {  	_ =	shalt  }
0x46: {  	_ =	shalt  }
0x47: {  	_ =	shalt  }
0x48: {  	_ =	shalt  }
0x49: {  	_ =	shalt  }
0x4a: {  	_ =	shalt  }
0x4b: {  	_ =	shalt  }
0x4c: {  	_ =	shalt  }
0x4d: {  	_ =	shalt  }
0x4e: {  	_ =	shalt  }
0x4f: {  	_ =	shalt  }
0x50: {  	_ =	shalt  }
0x51: {  	_ =	shalt  }
0x52: {  	_ =	shalt  }
0x53: {  	_ =	shalt  }
0x54: {  	_ =	shalt  }
0x55: {  	_ =	shalt  }
0x56: {  	_ =	shalt  }
0x57: {  	_ =	shalt  }
0x58: {  	_ =	shalt  }
0x59: {  	_ =	shalt  }
0x5a: {  	_ =	shalt  }
0x5b: {  	_ =	shalt  }
0x5c: {  	_ =	shalt  }
0x5d: {  	_ =	shalt  }
0x5e: {  	_ =	shalt  }
0x5f: {  	_ =	shalt  }
0x60: {  	_ =	shalt  }
0x61: {  	_ =	shalt  }
0x62: {  	_ =	shalt  }
0x63: {  	_ =	shalt  }
0x64: {  	_ =	shalt  }
0x65: {  	_ =	shalt  }
0x66: {  	_ =	shalt  }
0x67: {  	_ =	shalt  }
0x68: {  	_ =	shalt  }
0x69: {  	_ =	shalt  }
0x6a: {  	_ =	shalt  }
0x6b: {  	_ =	shalt  }
0x6c: {  	_ =	shalt  }
0x6d: {  	_ =	shalt  }
0x6e: {  	_ =	shalt  }
0x6f: {  	_ =	shalt  }
0x70: {  	_ =	shalt  }
0x71: {  	_ =	shalt  }
0x72: {  	_ =	shalt  }
0x73: {  	_ =	shalt  }
0x74: {  	_ =	shalt  }
0x75: {  	_ =	shalt  }
0x76: {  	_ =	shalt  }
0x77: {  	_ =	shalt  }
0x78: {  	_ =	shalt  }
0x79: {  	_ =	shalt  }
0x7a: {  	_ =	shalt  }
0x7b: {  	_ =	shalt  }
0x7c: {  	_ =	shalt  }
0x7d: {  	_ =	shalt  }
0x7e: {  	_ =	shalt  }
0x7f: {  	_ =	shalt  }
0x80: {  	_ =	shalt  }
0x81: {  	_ =	shalt  }
0x82: {  	_ =	shalt  }
0x83: {  	_ =	shalt  }
0x84: {  	_ =	shalt  }
0x85: {  	_ =	shalt  }
0x86: {  	_ =	shalt  }
0x87: {  	_ =	shalt  }
.Lfunc_end0:
.L_simem_size_0:
called_computation_lowered:
.L_overlay_start_0:
0x88: {  	s2 =	sld [smem:$0x3FD9]  }
0x89: {  	s3 =	sld [smem:$0x3FFE];
	_ =	sdelay $0x1  }
0x8a: {  	s1 =	srdreg.scid  }
0x8b: {  	s0 =	sand.u32 $0x1, s1  }
0x8c: {  	s16 =	sshll.u32 s0, $0xA;
	s2 =	sadd.s32 s3, s2  }
0x8d: {  	s2 =	sadd.s32 s2, s16  }
0x8e: {  	[smem:$0x3FB6] =	sst s2  }
0x8f: {  	_ = 	snop  }
0x90: {  	(tm) =	ssettm $0x1  }
0x91: {  	s17 =	sld [smem:$0x3FFB];
	_ =	sdelay $0x3  }
0x92: {  	_ =	strace s17  }
0x93: {  	s2 =	sld [smem:$0x3FFC];
	_ =	sdelay $0x3  }
0x94: {  	_ =	strace s2  }
0x95: {  	s2 =	sld [smem:$0x3FFD];
	_ =	sdelay $0x3  }
0x96: {  	_ =	strace s2  }
0x97: {  	_ =	strace $0x8FFFFFFF  }
0x98: {  	s18 =	sld [smem:$0x3FDB];
	_ =	sdelay $0x1  }
0x99: {  	s19 =	simm.s32 $_scs_section_size  }
0x9a: {  	s4 =	simm.s32 $_size__tile_overlayer_lowered;
	s5 =	simm.s32 $_tile_overlayer_lowered  }
0x9b: {  	s22 =	simm.s32 $0x1BFF;
	s21 =	sshll.u32 s5, $0x1;
	s2 =	sadd.s32 s19, s18  }
0x9c: {  	s6 =	simm.s32 $0x0;
	s20 =	sshll.u32 s4, $0x1;
	s4 =	sadd.s32 s21, s2  }
0x9d: {  	[timem:s6], [sflag:s22] =	dma.local [hbm:s4], s20  }
0x9e: {  	_ =	swait.ge [sflag:s22], s20  }
0x9f: {  	s3 =	ssub.s32 $0x0, s20;
	[sflag:s22] =	ssyncset.done $0x0  }
0xa0: {  	[sflag:s22] =	ssyncadd.s32 s3;
	_ =	sdelay $0x1  }
0xa1: {  	s23 =	simm.s32 $0x1B8B  }
0xa2: {  	_ =	swait.ge [sflag:s23], $0x1  }
0xa3: {  	[sflag:s23] =	ssyncset.done $0x0  }
0xa4: {  	s25 =	simm.s32 $0x1B8E;
	s24 =	sld [smem:$0x3FFE];
	[sflag:s23] =	ssyncadd.s32 $0xFFFFFFFF  }
0xa5: {  	s26 =	simm.s32 $execute0_lowered;
	[smem:$0x3FD2] =	sst s25  }
0xa6: {  	s4 =	sshll.u32 s26, $0x1;
	_ =	strace $0x80000046;
	[dreg:$0x1] =	wrdreg $0xFFFFFFFF  }
0xa7: {  	s28 =	simm.s32 $_size_execute0_lowered;
	s2 =	sadd.s32 s2, s4;
	[dreg:$0x0] =	wrdreg $0x0  }
0xa8: {  	s4 =	sshll.u32 s28, $0x1;
	[dreg:$0x2] =	wrdreg s2  }
0xa9: {  	[dreg:$0x3] =	wrdreg s4  }
0xaa: {  	[dreg:$0x4] =	wrdreg $0xC0  }
0xab: {  	_ =	task [dreg:s6], $0x5FFFF  }
0xac: {  	[dreg:$0x1] =	wrdreg $0xFFFFFFFF  }
0xad: {  	[dreg:$0x0] =	wrdreg $0x60  }
0xae: {  	[dreg:$0x2] =	wrdreg s24  }
0xaf: {  	[dreg:$0x3] =	wrdreg $0x28800  }
0xb0: {  	[dreg:$0x4] =	wrdreg $0x9  }
0xb1: {  	_ =	task.clear_ibuf [dreg:s6], $0x5FFFF;
	_ =	strace $0x90000046  }
0xb2: {  	s29 =	simm.s32 $0x9;
	_ =	strace $0x80000048  }
0xb3: {  	_ =	swait.ge [sflag:s29], $0x1  }
0xb4: {  	[sflag:s29] =	ssyncadd.s32 $0xFFFFFFFF  }
0xb5: {  	_ =	strace $0x90000048  }
0xb6: {  	_ =	sfence  }
0xb7: {  	s30 =	sld [smem:$0x0];
	_ =	sdelay $0x2  }
0xb8: {  	s31 =	sshll.u32 s1, $0xD;
	s1 =	sshrl.u32 s1, $0x2  }
0xb9: {  	s3 =	sand.u32 $0x4000, s31;
	s1 =	sadd.s32 s1, s30  }
0xba: {  	s0 =	sor.u32 s3, s0;
	s1 =	sshll.u32 s1, $0x11  }
0xbb: {  	s0 =	sor.u32 s1, s0  }
0xbc: {  	s0 =	sadd.s32 $0x8F2B, s0  }
0xbd: {  	[sflag:s0] =	ssyncadd.remote.s32 $0x1  }
0xbe: {  	_ =	sfence.sel $0xFFFF  }
0xbf: {  	[dreg:$0x0] =	wrdreg $0xFFFFFFFF;
	(pc) =	sbr.abs _section_cstart, $3  }
0xc0: {  	[dreg:$0x1] =	wrdreg $0xFFFFFFFF  }
0xc1: {  	_ =	task.clear_ibuf [dreg:s6], $0x2FFFF;
	_ =	strace $0x9FFFFFFF  }
0xc2: {  	(tm) =	ssettm $0x7FFFFFFF  }
0xc3: {  	_ =	shalt  }
tec
execute0_lowered:
.L_overlay_start_1:
0x0: {  	(tag) =	ssettag $0x1  }
0x1: {  	s4 =	rddreg [dreg:$0x0];
	s1 =	srdreg.scid  }
0x2: {  	s0 =	stileid.u32;
	s2 =	rddreg [dreg:$0x1];
	s3 =	simm.s32 $0x0  }
0x3: {  	s10 =	simm.s32 $0x7D0;
	s11 =	simm.s32 $0x800;
	s6 =	smul.u32 $0x30D40, s0  }
0x4: {  	s12 =	simm.s32 $0x80;
	s13 =	simm.s32 $0x100;
	s8 =	smul.u32 $0x3100, s0  }
0x5: {  	s5 =	sand.u32 $0x1, s1;
	s1 =	rddreg [dreg:$0x2];
	s26 =	smul.u32 $0x6200, s0  }
0x6: {  	s14 =	simm.s32 $0x0;
	[smem:$0x7FF] =	sst s3;
	s7 =	smul.u32 $0x186A0, s5  }
0x7: {  	_ =	strace $0x80000047;
	s25 =	sshll.u32 s5, $0x7;
	s5 =	ssub.s32 $0x2, s5  }
0x8: {  	s29 =	sshrl.u32 s5, $0x1;
	s6 =	sadd.s32 s7, s6;
	s7 =	sor.u32 s25, s8  }
0x9: {  	s30 =	sshrl.u32 s26, $0x2;
	s6 =	sshrl.u32 s6, $0x3;
	s28 =	sshrl.u32 s7, $0x3  }
0xa: {  	s31 =	ssub.s32 s5, s29;
	s9 =	sadd.s32 s6, s4;
	s6 =	sadd.s32 s28, s4  }
0xb: {  	s8 =	simm.s32 $0x1000;
	s4 =	sadd.s32 s30, s2;
	s5 =	sadd.s32 $0xC7E00, s6  }
0xc: {  	v0 =	vimm.f32 $1.000000000e+00;
	v1 =	vimm.f32 $0.0e+00;
	s6 =	smax.u32 s31, $0x1;
	s7 =	sadd.s32 $0x66200, s9;
	s9 =	simm.s32 $0x1  }
.LBB2_1:
0xd: {  	s15 =	simm.s32 $0x0  }
.LBB2_2:
0xe: {  	p0 =	sne.s32 s15, $0x1F00  }
.Ltmp0:
0xf: {  	_ = 	snop;
	(pc) =	sbr.rel @p0 .LBB2_2-.Ltmp0, $3  }
0x10: {  	_ =	sdelay $0x1  }
0x11: {  	s16 =	sshra.s32 s15, $0x2  }
0x12: {  	s15 =	sadd.s32 $0x40, s15;
	[tilespmem:s16+$0x800] =	vst v0  }
0x13: {  	s15 =	simm.s32 $0x40;
	s16 =	simm.s32 $0x0  }
.LBB2_4:
0x14: {  	p0 =	sne.s32 s15, $0x61C0;
	[tilespmem:s16+$0x1000] =	vst v1;
	s16 =	smov.u32 s15;
	s15 =	sadd.s32 $0x40, s15  }
.Ltmp1:
0x15: {  	(pc) =	sbr.rel @p0 .LBB2_4-.Ltmp1, $2  }
0x16: {  	_ =	sdelay $0x2  }
0x17: {  	s16 =	sshra.s32 s16, $0x2  }
0x18: {  	[tilespmem:s16+$0x1000] =	vst v1  }
0x19: {  	[spmem:s4] =	stream.linear.scatter [tilespmem:s8], [sflag:$0x1], $0x1880, $0x38;
	[tilespmem:$0x4100] =	vst v63  }
0x1a: {  	_ =	swait.ge [sflag:s9], $0x1880  }
0x1b: {  	[sflag:s9] =	ssyncset.done $0x0  }
0x1c: {  	[sflag:s9] =	ssyncadd.s32 $0xFFFFE780  }
0x1d: {  	s15 =	sadd.s32 $0x0, s7;
	[bflag:$0x0] =	sbarrier.arrive $0xFFFF  }
0x1e: {  	[tilespmem:s3], [sflag:$0x1] =	stream.linear.gather [hbm4b:s15+s3], $0x7D0, $0x38;
	[tilespmem:$0x4100] =	vst v63  }
0x1f: {  	_ =	swait.ge [sflag:s9], $0x7D0  }
0x20: {  	[sflag:s9] =	ssyncset.done $0x0  }
0x21: {  	[sflag:s9] =	ssyncadd.s32 $0xFFFFF830  }
0x22: {  	[spmem:s2] =	stream.indirect.scatter.add.f32 [tilespmem:s11], [sflag:$0x1], $0x1, s3, s10, $0xb8;
	[tilespmem:$0x4100] =	vst v63  }
0x23: {  	_ =	swait.ge [sflag:s9], $0x7D0  }
0x24: {  	s16 =	simm.s32 $0x1F4;
	s15 =	simm.s32 $0xFA;
	[sflag:s9] =	ssyncset.done $0x0  }
.LBB2_6:
0x25: {  	s17 =	sadd.s32 s15, s7  }
0x26: {  	[sflag:s9] =	ssyncadd.s32 $0xFFFFF830;
	s15 =	smov.u32 s16;
	s18 =	sadd.s32 $0xFA, s16  }
0x27: {  	[tilespmem:s3], [sflag:$0x1] =	stream.linear.gather [hbm4b:s17+s3], $0x7D0, $0x38;
	[tilespmem:$0x4100] =	vst v63  }
0x28: {  	p0 =	sne.s32 s16, $0x2FDA;
	_ =	swait.ge [sflag:s9], $0x7D0  }
.Ltmp2:
0x29: {  	[sflag:s9] =	ssyncset.done $0x0;
	(pc) =	sbr.rel @p0 .LBB2_6-.Ltmp2, $4  }
0x2a: {  	[sflag:s9] =	ssyncadd.s32 $0xFFFFF830  }
0x2b: {  	[spmem:s2] =	stream.indirect.scatter.add.f32 [tilespmem:s11], [sflag:$0x1], $0x1, s3, s10, $0xb8;
	[tilespmem:$0x4100] =	vst v63  }
0x2c: {  	_ =	swait.ge [sflag:s9], $0x7D0  }
0x2d: {  	s16 =	smov.u32 s18;
	[sflag:s9] =	ssyncset.done $0x0  }
0x2e: {  	s15 =	sadd.s32 s15, s7;
	[sflag:s9] =	ssyncadd.s32 $0xFFFFF830  }
0x2f: {  	[tilespmem:s3], [sflag:$0x1] =	stream.linear.gather [hbm4b:s15+s3], $0x7D0, $0x38;
	[tilespmem:$0x4100] =	vst v63  }
0x30: {  	_ =	swait.ge [sflag:s9], $0x7D0  }
0x31: {  	[sflag:s9] =	ssyncset.done $0x0  }
0x32: {  	[sflag:s9] =	ssyncadd.s32 $0xFFFFF830  }
0x33: {  	[spmem:s2] =	stream.indirect.scatter.add.f32 [tilespmem:s11], [sflag:$0x1], $0x1, s3, s10, $0xb8;
	[tilespmem:$0x4100] =	vst v63  }
0x34: {  	_ =	swait.ge [sflag:s9], $0x7D0  }
0x35: {  	[sflag:s9] =	ssyncset.done $0x0  }
0x36: {  	[sflag:s9] =	ssyncadd.s32 $0xFFFFF830  }
0x37: {  	[bflag:$0x0] =	sbarrier.arrive $0xFFFF  }
0x38: {  	[tilespmem:s8], [sflag:$0x1] =	stream.linear.gather [spmem:s4], $0x1880, $0x38;
	[tilespmem:$0x4100] =	vst v63  }
0x39: {  	s14 =	sadd.s32 $0x1, s14;
	_ =	swait.ge [sflag:s9], $0x1880  }
0x3a: {  	p0 =	sne.s32 s14, s6;
	[sflag:s9] =	ssyncset.done $0x0  }
.Ltmp3:
0x3b: {  	[sflag:s9] =	ssyncadd.s32 $0xFFFFE780;
	(pc) =	sbr.rel @p0 .LBB2_1-.Ltmp3, $4  }
0x3c: {  	[hbm4b:s5+s12] =	stream.strided.scatter [tilespmem:s8], [sflag:$0x1], $0x1880, s13, s12, $0x38;
	[tilespmem:$0x4100] =	vst v63  }
0x3d: {  	_ =	swait.ge [sflag:s9], $0x1880  }
0x3e: {  	[sflag:s9] =	ssyncset.done $0x0  }
0x3f: {  	[sflag:s9] =	ssyncadd.s32 $0xFFFFE780  }
0x40: {  	_ =	sfence.sel $0x180000  }
0x41: {  	[bflag:$0x0] =	sbarrier.arrive $0xFFFF  }
0x42: {  	p0 =	sne.s32 s0, $0x0;
	_ =	strace $0x90000047  }
0x43: {  	s0 =	sadd.s32 @!p0 $0x100000, s1;
	[bflag:$0x2] =	sbarrier.arrive $0xFFFF  }
0x44: {  	[sflag:s0] =	ssyncadd.tile.s32 @!p0 $0x1;
	_ =	shalt  }
.Lfunc_end2:
_tile_overlayer_lowered:
.L_overlay_start_2:
0x45: {  	(tag) =	ssettag $0x2  }
0x46: {  	s0 =	rddreg [dreg:$0x0];
	s2 =	stileid.u32  }
0x47: {  	s1 =	rddreg [dreg:$0x1];
	p0 =	sne.s32 s2, $0x0  }
0x48: {  	s3 =	rddreg [dreg:$0x2];
	[bflag:$0x3] =	sbarrier.arrive $0xFFFF;
	s2 =	simm.s32 @!p0 $0x1C01  }
0x49: {  	[timem:s3], [sflag:s2] =	dma.local @!p0 [hbm:s0], s1  }
0x4a: {  	s0 =	simm.s32 @!p0 $0x1  }
0x4b: {  	_ =	swait.ge @!p0 [sflag:s0], s1  }
0x4c: {  	s1 =	ssub.s32 @!p0 $0x0, s1;
	[sflag:s0] =	ssyncset.done @!p0 $0x0  }
0x4d: {  	[sflag:s0] =	ssyncadd.s32 @!p0 s1  }
0x4e: {  	[bflag:$0x3] =	sbarrier.arrive $0xFFFF  }
0x4f: {  	_ =	shalt  }

</sc_bundles>
